<compile_context>
chip_gen: v7x
topology: tpu7x:2x2x1
jax: 0.10.2.dev20260603
libtpu: 0.0.44.dev20260713+nightly
codegen_flags: <defaults>
</compile_context>

<pallas_src>
import functools

import jax
import jax.numpy as jnp
from jax import lax
from jax.experimental import pallas as pl
from jax.experimental.pallas import tpu as pltpu
from jax.experimental.pallas import tpu_sc as plsc

N = 10000
E = 320000
D = 128

NC = 2
NS = 16
NW = NC * NS

CH = 128
EPT = 10240
NCHUNK = EPT // CH
E_PAD = EPT * NW
NA = 10240
STRIPE = NA // NS
DUMMY = N

G = 8
NGRP = NCHUNK // G

CHD = 128
NCHD = EPT // CHD
GD = 8
NGRPD = NCHD // GD


@functools.cache
def _make_deg_kernel():
    mesh = plsc.VectorSubcoreMesh(core_axis_name="c", subcore_axis_name="s")
    return functools.partial(
        pl.kernel,
        mesh=mesh,
        out_type=jax.ShapeDtypeStruct((NC * NA, 16), jnp.float32),
        scratch_types=[
            pltpu.VMEM_SHARED((NA, 16), jnp.float32),
            pltpu.VMEM((GD, CHD), jnp.int32),
            pltpu.VMEM((CHD, 16), jnp.float32),
        ],
    )(_deg_body)


def _deg_body(dst_hbm, out_hbm, acc, dst_v, ones_v):
    c = lax.axis_index("c")
    s = lax.axis_index("s")
    wid = c * NS + s

    zero16 = jnp.zeros((1, 16), jnp.float32)
    one16 = jnp.ones((1, 16), jnp.float32)

    @pl.loop(0, CHD)
    def _(i):
        ones_v.at[pl.ds(i, 1), pl.ds(0, 16)][...] = zero16

    @pl.loop(0, STRIPE // CHD)
    def _(t):
        pltpu.sync_copy(ones_v, acc.at[pl.ds(s * STRIPE + t * CHD, CHD)])

    @pl.loop(0, CHD)
    def _(i):
        ones_v.at[pl.ds(i, 1), pl.ds(0, 16)][...] = one16

    plsc.subcore_barrier()

    @pl.loop(0, NGRPD)
    def _(g):
        pltpu.sync_copy(dst_hbm.at[wid, pl.ds(g * GD, GD)], dst_v)

        @pl.loop(0, GD)
        def _(i):
            pltpu.sync_copy(ones_v, acc.at[dst_v.at[i]], add=True)

    plsc.subcore_barrier()
    pltpu.sync_copy(
        acc.at[pl.ds(s * STRIPE, STRIPE)],
        out_hbm.at[pl.ds(c * NA + s * STRIPE, STRIPE)],
    )


@functools.cache
def _make_scatter_kernel():
    mesh = plsc.VectorSubcoreMesh(core_axis_name="c", subcore_axis_name="s")
    return functools.partial(
        pl.kernel,
        mesh=mesh,
        out_type=jax.ShapeDtypeStruct((NC * NA, D), jnp.float32),
        scratch_types=[
            pltpu.VMEM_SHARED((NA, D), jnp.float32),
            pltpu.VMEM((G, CH), jnp.int32),
            pltpu.VMEM((G, CH), jnp.int32),
            pltpu.VMEM((CH, D), jnp.float32),
            pltpu.VMEM((CH, D), jnp.float32),
            pltpu.SemaphoreType.DMA,
            pltpu.SemaphoreType.DMA,
        ],
    )(_scatter_body)


def _scatter_body(g_hbm, src_hbm, dst_hbm, out_hbm, acc, src_v, dst_v,
                  r0, r1, sg0, sg1):
    c = lax.axis_index("c")
    s = lax.axis_index("s")
    wid = c * NS + s

    zero16 = jnp.zeros((1, 16), jnp.float32)

    @pl.loop(0, CH)
    def _(i):
        @pl.loop(0, D, step=16)
        def _(j):
            r0.at[pl.ds(i, 1), pl.ds(j, 16)][...] = zero16

    @pl.loop(0, STRIPE // CH)
    def _(t):
        pltpu.sync_copy(r0, acc.at[pl.ds(s * STRIPE + t * CH, CH)])

    plsc.subcore_barrier()

    bufs = ((r0, sg0), (r1, sg1))

    @pl.loop(0, NGRP)
    def _(grp):
        pltpu.sync_copy(src_hbm.at[wid, pl.ds(grp * G, G)], src_v)
        pltpu.sync_copy(dst_hbm.at[wid, pl.ds(grp * G, G)], dst_v)

        for b, (rb, gsem) in enumerate(bufs):
            pltpu.async_copy(g_hbm.at[src_v.at[b]], rb, gsem)

        @pl.loop(0, G - 2, step=2)
        def _(i):
            for b, (rb, gsem) in enumerate(bufs):
                pltpu.make_async_copy(g_hbm.at[src_v.at[i + b]], rb, gsem).wait()
                pltpu.sync_copy(rb, acc.at[dst_v.at[i + b]], add=True)
                pltpu.async_copy(g_hbm.at[src_v.at[i + b + 2]], rb, gsem)

        for b, (rb, gsem) in enumerate(bufs):
            i = G - 2 + b
            pltpu.make_async_copy(g_hbm.at[src_v.at[i]], rb, gsem).wait()
            pltpu.sync_copy(rb, acc.at[dst_v.at[i]], add=True)

    plsc.subcore_barrier()
    pltpu.sync_copy(
        acc.at[pl.ds(s * STRIPE, STRIPE)],
        out_hbm.at[pl.ds(c * NA + s * STRIPE, STRIPE)],
    )


_PREC = lax.Precision.HIGHEST
BLK = 1000
GRID = N // BLK


def _dinv_of(p_ref):
    deg = 1.0 + p_ref[0, :, 0:1] + p_ref[1, :, 0:1]
    return lax.rsqrt(deg)


_P16 = 16


def _tc_matmul(x, w):
    def body(x_ref, w_ref, o_ref):
        o_ref[...] = jnp.dot(x_ref[...], w_ref[...],
                             preferred_element_type=jnp.float32,
                             precision=_PREC)

    return pl.pallas_call(
        body,
        out_shape=jax.ShapeDtypeStruct((N, D), jnp.float32),
        grid=(GRID,),
        in_specs=[
            pl.BlockSpec((BLK, D), lambda i: (i, 0)),
            pl.BlockSpec((D, D), lambda i: (0, 0)),
        ],
        out_specs=pl.BlockSpec((BLK, D), lambda i: (i, 0)),
    )(x, w)


def _tc_scale(p, h):
    def body(p_ref, h_ref, o_ref):
        o_ref[...] = h_ref[...] * _dinv_of(p_ref)

    return pl.pallas_call(
        body,
        out_shape=jax.ShapeDtypeStruct((N, D), jnp.float32),
        grid=(GRID,),
        in_specs=[
            pl.BlockSpec((2, BLK, _P16), lambda i: (0, i, 0)),
            pl.BlockSpec((BLK, D), lambda i: (i, 0)),
        ],
        out_specs=pl.BlockSpec((BLK, D), lambda i: (i, 0)),
    )(p, h)


def _tc_layer2(p, s1, g1, b1, w2):
    def body(p_ref, s_ref, g_ref, b_ref, w_ref, o_ref):
        dinv = _dinv_of(p_ref)
        y = (s_ref[0] + s_ref[1] + g_ref[...]) * dinv + b_ref[...]
        y = jnp.maximum(y, 0.0)
        h2 = jnp.dot(y, w_ref[...], preferred_element_type=jnp.float32,
                     precision=_PREC)
        o_ref[...] = h2 * dinv

    return pl.pallas_call(
        body,
        out_shape=jax.ShapeDtypeStruct((N, D), jnp.float32),
        grid=(GRID,),
        in_specs=[
            pl.BlockSpec((2, BLK, _P16), lambda i: (0, i, 0)),
            pl.BlockSpec((2, BLK, D), lambda i: (0, i, 0)),
            pl.BlockSpec((BLK, D), lambda i: (i, 0)),
            pl.BlockSpec((1, D), lambda i: (0, 0)),
            pl.BlockSpec((D, D), lambda i: (0, 0)),
        ],
        out_specs=pl.BlockSpec((BLK, D), lambda i: (i, 0)),
    )(p, s1, g1, b1, w2)


def _tc_out(p, s2, g2, b2):
    def body(p_ref, s_ref, g_ref, b_ref, o_ref):
        dinv = _dinv_of(p_ref)
        o_ref[...] = (s_ref[0] + s_ref[1] + g_ref[...]) * dinv + b_ref[...]

    return pl.pallas_call(
        body,
        out_shape=jax.ShapeDtypeStruct((N, D), jnp.float32),
        grid=(GRID,),
        in_specs=[
            pl.BlockSpec((2, BLK, _P16), lambda i: (0, i, 0)),
            pl.BlockSpec((2, BLK, D), lambda i: (0, i, 0)),
            pl.BlockSpec((BLK, D), lambda i: (i, 0)),
            pl.BlockSpec((1, D), lambda i: (0, 0)),
        ],
        out_specs=pl.BlockSpec((BLK, D), lambda i: (i, 0)),
    )(p, s2, g2, b2)


def kernel(x, edge_index, W1, b1, W2, b2):
    src = edge_index[0]
    dst = edge_index[1]
    pad = E_PAD - E
    pad_src = (jnp.arange(pad, dtype=jnp.int32) * 131) % N
    pad_dst = N + (jnp.arange(pad, dtype=jnp.int32) % (NA - N))
    src_p = jnp.concatenate([src, pad_src]).reshape(NW, NCHUNK, CH)
    dst_p = jnp.concatenate([dst, pad_dst]).reshape(NW, NCHUNK, CH)

    scatter_kernel = _make_scatter_kernel()
    deg_kernel = _make_deg_kernel()
    dst_d = dst_p.reshape(NW, NCHD, CHD)
    p = deg_kernel(dst_d).reshape(NC, NA, 16)
    h1 = _tc_matmul(x, W1)
    g1 = _tc_scale(p, h1)
    s1 = scatter_kernel(g1, src_p, dst_p).reshape(NC, NA, D)
    g2 = _tc_layer2(p, s1, g1, b1.reshape(1, D), W2)
    s2 = scatter_kernel(g2, src_p, dst_p).reshape(NC, NA, D)
    return _tc_out(p, s2, g2, b2.reshape(1, D))

# --- scband reference (transcript-rebuilt; emitter-appended) ---
"""Pipeline reference for scband-gcnencoder-24455543783860 (READ-ONLY COPY).

The authoritative reference and input builder live on the scoring server;
editing this copy changes nothing except your own understanding.
"""

import jax, jax.numpy as jnp
import numpy as np

N = 10000
E = 320000
D_IN = 128
D_H = 128


def setup_inputs(seed: int = 0) -> dict:
    key = jax.random.key(seed)
    k1, k2, k3, k4 = jax.random.split(key, 4)
    x = jax.random.normal(k1, (N, D_IN), dtype=jnp.float32)
    edge_index = jax.random.randint(k2, (2, E), 0, N, dtype=jnp.int32)
    W1 = jax.random.normal(k3, (D_IN, D_H), dtype=jnp.float32) * (1.0 / np.sqrt(D_IN))
    b1 = jnp.zeros((D_H,), dtype=jnp.float32)
    W2 = jax.random.normal(k4, (D_H, D_H), dtype=jnp.float32) * (1.0 / np.sqrt(D_H))
    b2 = jnp.zeros((D_H,), dtype=jnp.float32)
    return {"x": x, "edge_index": edge_index, "W1": W1, "b1": b1, "W2": W2, "b2": b2}


def gcn_conv(x, edge_index, W, b):
    # PyG-style GCNConv: linear transform, add self-loops, deg^-1/2 symmetric norm, scatter-add
    n = x.shape[0]
    loop = jnp.arange(n, dtype=edge_index.dtype)
    src = jnp.concatenate([edge_index[0], loop])
    dst = jnp.concatenate([edge_index[1], loop])
    deg = jnp.zeros((n,), dtype=x.dtype).at[dst].add(1.0)
    dinv = jnp.where(deg > 0, jax.lax.rsqrt(jnp.maximum(deg, 1e-12)), 0.0)
    norm = dinv[src] * dinv[dst]
    h = x @ W
    msg = h[src] * norm[:, None]
    out = jnp.zeros((n, W.shape[1]), dtype=x.dtype).at[dst].add(msg)
    return out + b


def reference(x, edge_index, W1, b1, W2, b2):
    h = gcn_conv(x, edge_index, W1, b1)
    h = jax.nn.relu(h)
    out = gcn_conv(h, edge_index, W2, b2)
    return out

if __name__ == "__main__":
    import jax
    _d = setup_inputs()
    print(jax.jit(kernel)(*tuple(_d.values())))

</pallas_src>

<mosaic_0001>
#map = affine_map<(d0, d1) -> (0, 0, 0)>
#map1 = affine_map<(d0, d1) -> (0, 0)>
module attributes {stable_mosaic.version = 14 : i64} {
  func.func @_deg_body(%arg0: i32, %arg1: i32, %arg2: memref<32x80x128xi32, #tpu.memory_space<hbm>>, %arg3: memref<20480x16xf32, #tpu.memory_space<hbm>>, %arg4: memref<10240x16xf32, #tpu.memory_space<vmem_shared>>, %arg5: memref<8x128xi32, #tpu.memory_space<vmem>>, %arg6: memref<128x16xf32, #tpu.memory_space<vmem>>) attributes {dimension_semantics = [#tpu.dimension_semantics<core_parallel>, #tpu.dimension_semantics<subcore_parallel>], iteration_bounds = array<i64: 2, 16>, scalar_prefetch = 0 : i64, scratch_operands = 3 : i64, tpu.core_type = #tpu.core_type<sc_vector_subcore>, window_params = [{transform_indices = #map}, {transform_indices = #map1}]} {
    %mul3A = arith.constant 16 : i32
    %mul3A_0 = arith.muli %arg0, %mul3A : i32
    %add3A = arith.addi %mul3A_0, %arg1 : i32
    %broadcast_in_dim3A = arith.constant 0.000000e+00 : f32
    %broadcast_in_dim3A_1 = vector.broadcast %broadcast_in_dim3A : f32 to vector<1x16xf32>
    %broadcast_in_dim3A_2 = arith.constant 1.000000e+00 : f32
    %broadcast_in_dim3A_3 = vector.broadcast %broadcast_in_dim3A_2 : f32 to vector<1x16xf32>
    %scan3A = arith.constant 0 : i32
    %scan3A_4 = arith.constant 128 : i32
    %scan3A_5 = arith.addi %scan3A, %scan3A_4 : i32
    %scan3A_6 = arith.constant 1 : i32
    scf.for %scan3A_31 = %scan3A to %scan3A_5 step %scan3A_6  : i32 {
      %mul3A_32 = arith.constant 1 : i32
      %mul3A_33 = arith.muli %scan3A_31, %mul3A_32 : i32
      %add3A_34 = arith.constant 0 : i32
      %add3A_35 = arith.addi %add3A_34, %mul3A_33 : i32
      %swap3A = arith.index_cast %add3A_35 : i32 to index
      %swap3A_36 = arith.constant 0 : index
      %swap3A_37 = tpu.vector_load %arg6[%swap3A, %swap3A_36] {strides = array<i32>} : memref<128x16xf32, #tpu.memory_space<vmem>>, vector<1x16xf32>,
      %swap3A_38 = vector.shape_cast %swap3A_37 : vector<1x16xf32> to vector<1x16xf32>
      %swap3A_39 = vector.shape_cast %broadcast_in_dim3A_1 : vector<1x16xf32> to vector<1x16xf32>
      tpu.vector_store %arg6[%swap3A, %swap3A_36], %swap3A_39 {strides = array<i32>} : memref<128x16xf32, #tpu.memory_space<vmem>>, vector<1x16xf32>,
    }
    %scan3A_7 = arith.constant 128 : i32
    %scan3A_8 = arith.constant 0 : i32
    %scan3A_9 = arith.constant 5 : i32
    %scan3A_10 = arith.addi %scan3A_8, %scan3A_9 : i32
    %scan3A_11 = arith.constant 1 : i32
    scf.for %scan3A_31 = %scan3A_8 to %scan3A_10 step %scan3A_11  : i32 {
      %mul3A_32 = arith.constant 1 : i32
      %mul3A_33 = arith.muli %scan3A_31, %mul3A_32 : i32
      %add3A_34 = arith.constant 0 : i32
      %add3A_35 = arith.addi %add3A_34, %mul3A_33 : i32
      %mul3A_36 = arith.constant 640 : i32
      %mul3A_37 = arith.muli %arg1, %mul3A_36 : i32
      %mul3A_38 = arith.constant 128 : i32
      %mul3A_39 = arith.muli %add3A_35, %mul3A_38 : i32
      %add3A_40 = arith.addi %mul3A_37, %mul3A_39 : i32
      "tpu.region"() ({
        %run_scoped3A = tpu.sem_alloc : memref<!tpu.dma_semaphore, #tpu.memory_space<semaphore_mem>>
        %dma_start3A = arith.constant 0 : i32
        %dma_start3A_41 = tpu.memref_slice %arg4[%add3A_40, %dma_start3A] : memref<10240x16xf32, #tpu.memory_space<vmem_shared>> -> memref<128x16xf32, #tpu.memory_space<vmem_shared>>
        %dma_start3A_42 = arith.constant 0 : i32
        %dma_start3A_43 = tpu.memref_slice %arg4[%add3A_40, %dma_start3A_42] : memref<10240x16xf32, #tpu.memory_space<vmem_shared>> -> memref<128x16xf32, #tpu.memory_space<vmem_shared>>
        tpu.enqueue_dma source(%arg6 : memref<128x16xf32, #tpu.memory_space<vmem>>) target(%dma_start3A_43 : memref<128x16xf32, #tpu.memory_space<vmem_shared>>) target_semaphore(%run_scoped3A : memref<!tpu.dma_semaphore, #tpu.memory_space<semaphore_mem>>)
        %dma_wait3A = arith.constant 0 : i32
        %dma_wait3A_44 = tpu.memref_slice %arg4[%add3A_40, %dma_wait3A] : memref<10240x16xf32, #tpu.memory_space<vmem_shared>> -> memref<128x16xf32, #tpu.memory_space<vmem_shared>>
        %dma_wait3A_45 = arith.constant 0 : i32
        %dma_wait3A_46 = tpu.memref_slice %arg4[%add3A_40, %dma_wait3A_45] : memref<10240x16xf32, #tpu.memory_space<vmem_shared>> -> memref<128x16xf32, #tpu.memory_space<vmem_shared>>
        tpu.wait_dma2 semaphore(%run_scoped3A : memref<!tpu.dma_semaphore, #tpu.memory_space<semaphore_mem>>) src(%arg6 : memref<128x16xf32, #tpu.memory_space<vmem>>) dst(%dma_wait3A_46 : memref<128x16xf32, #tpu.memory_space<vmem_shared>>)
        tpu.yield
      }) : () -> ()
    }
    %scan3A_12 = arith.constant 5 : i32
    %scan3A_13 = arith.constant 0 : i32
    %scan3A_14 = arith.constant 128 : i32
    %scan3A_15 = arith.addi %scan3A_13, %scan3A_14 : i32
    %scan3A_16 = arith.constant 1 : i32
    scf.for %scan3A_31 = %scan3A_13 to %scan3A_15 step %scan3A_16  : i32 {
      %mul3A_32 = arith.constant 1 : i32
      %mul3A_33 = arith.muli %scan3A_31, %mul3A_32 : i32
      %add3A_34 = arith.constant 0 : i32
      %add3A_35 = arith.addi %add3A_34, %mul3A_33 : i32
      %swap3A = arith.index_cast %add3A_35 : i32 to index
      %swap3A_36 = arith.constant 0 : index
      %swap3A_37 = tpu.vector_load %arg6[%swap3A, %swap3A_36] {strides = array<i32>} : memref<128x16xf32, #tpu.memory_space<vmem>>, vector<1x16xf32>,
      %swap3A_38 = vector.shape_cast %swap3A_37 : vector<1x16xf32> to vector<1x16xf32>
      %swap3A_39 = vector.shape_cast %broadcast_in_dim3A_3 : vector<1x16xf32> to vector<1x16xf32>
      tpu.vector_store %arg6[%swap3A, %swap3A_36], %swap3A_39 {strides = array<i32>} : memref<128x16xf32, #tpu.memory_space<vmem>>, vector<1x16xf32>,
    }
    %scan3A_17 = arith.constant 128 : i32
    %barrier3A = arith.constant 0 : index
    tpu.barrier barrier_id(%barrier3A)
    %scan3A_18 = arith.constant 0 : i32
    %scan3A_19 = arith.constant 10 : i32
    %scan3A_20 = arith.addi %scan3A_18, %scan3A_19 : i32
    %scan3A_21 = arith.constant 1 : i32
    scf.for %scan3A_31 = %scan3A_18 to %scan3A_20 step %scan3A_21  : i32 {
      %mul3A_32 = arith.constant 1 : i32
      %mul3A_33 = arith.muli %scan3A_31, %mul3A_32 : i32
      %add3A_34 = arith.constant 0 : i32
      %add3A_35 = arith.addi %add3A_34, %mul3A_33 : i32
      %mul3A_36 = arith.constant 8 : i32
      %mul3A_37 = arith.muli %add3A_35, %mul3A_36 : i32
      "tpu.region"() ({
        %run_scoped3A = tpu.sem_alloc : memref<!tpu.dma_semaphore, #tpu.memory_space<semaphore_mem>>
        %dma_start3A = arith.constant 0 : i32
        %dma_start3A_43 = tpu.memref_slice %arg2[%add3A, %mul3A_37, %dma_start3A] : memref<32x80x128xi32, #tpu.memory_space<hbm>> -> memref<1x8x128xi32, #tpu.memory_space<hbm>>
        %dma_start3A_44 = tpu.memref_squeeze %dma_start3A_43 : memref<1x8x128xi32, #tpu.memory_space<hbm>> -> memref<8x128xi32, #tpu.memory_space<hbm>>
        %dma_start3A_45 = arith.constant 0 : i32
        %dma_start3A_46 = tpu.memref_slice %arg2[%add3A, %mul3A_37, %dma_start3A_45] : memref<32x80x128xi32, #tpu.memory_space<hbm>> -> memref<1x8x128xi32, #tpu.memory_space<hbm>>
        %dma_start3A_47 = tpu.memref_squeeze %dma_start3A_46 : memref<1x8x128xi32, #tpu.memory_space<hbm>> -> memref<8x128xi32, #tpu.memory_space<hbm>>
        tpu.enqueue_dma source(%dma_start3A_47 : memref<8x128xi32, #tpu.memory_space<hbm>>) target(%arg5 : memref<8x128xi32, #tpu.memory_space<vmem>>) target_semaphore(%run_scoped3A : memref<!tpu.dma_semaphore, #tpu.memory_space<semaphore_mem>>)
        %dma_wait3A = arith.constant 0 : i32
        %dma_wait3A_48 = tpu.memref_slice %arg2[%add3A, %mul3A_37, %dma_wait3A] : memref<32x80x128xi32, #tpu.memory_space<hbm>> -> memref<1x8x128xi32, #tpu.memory_space<hbm>>
        %dma_wait3A_49 = tpu.memref_squeeze %dma_wait3A_48 : memref<1x8x128xi32, #tpu.memory_space<hbm>> -> memref<8x128xi32, #tpu.memory_space<hbm>>
        %dma_wait3A_50 = arith.constant 0 : i32
        %dma_wait3A_51 = tpu.memref_slice %arg2[%add3A, %mul3A_37, %dma_wait3A_50] : memref<32x80x128xi32, #tpu.memory_space<hbm>> -> memref<1x8x128xi32, #tpu.memory_space<hbm>>
        %dma_wait3A_52 = tpu.memref_squeeze %dma_wait3A_51 : memref<1x8x128xi32, #tpu.memory_space<hbm>> -> memref<8x128xi32, #tpu.memory_space<hbm>>
        tpu.wait_dma2 semaphore(%run_scoped3A : memref<!tpu.dma_semaphore, #tpu.memory_space<semaphore_mem>>) src(%dma_wait3A_52 : memref<8x128xi32, #tpu.memory_space<hbm>>) dst(%arg5 : memref<8x128xi32, #tpu.memory_space<vmem>>)
        tpu.yield
      }) : () -> ()
      %scan3A_38 = arith.constant 0 : i32
      %scan3A_39 = arith.constant 8 : i32
      %scan3A_40 = arith.addi %scan3A_38, %scan3A_39 : i32
      %scan3A_41 = arith.constant 1 : i32
      scf.for %scan3A_43 = %scan3A_38 to %scan3A_40 step %scan3A_41  : i32 {
        %mul3A_44 = arith.constant 1 : i32
        %mul3A_45 = arith.muli %scan3A_43, %mul3A_44 : i32
        %add3A_46 = arith.constant 0 : i32
        %add3A_47 = arith.addi %add3A_46, %mul3A_45 : i32
        "tpu.region"() ({
          %run_scoped3A = tpu.sem_alloc : memref<!tpu.dma_semaphore, #tpu.memory_space<semaphore_mem>>
          %dma_start3A = arith.constant 0 : i32
          %dma_start3A_48 = tpu.memref_slice %arg5[%add3A_47, %dma_start3A] : memref<8x128xi32, #tpu.memory_space<vmem>> -> memref<1x128xi32, #tpu.memory_space<vmem>>
          %dma_start3A_49 = tpu.memref_squeeze %dma_start3A_48 : memref<1x128xi32, #tpu.memory_space<vmem>> -> memref<128xi32, #tpu.memory_space<vmem>>
          %dma_start3A_50 = arith.constant 0 : i32
          %dma_start3A_51 = arith.constant 0 : i32
          %dma_start3A_52 = tpu.memref_slice %arg4[%dma_start3A_50, %dma_start3A_51] : memref<10240x16xf32, #tpu.memory_space<vmem_shared>> -> memref<10240x16xf32, #tpu.memory_space<vmem_shared>>
          tpu.enqueue_indirect_dma source(%arg6 : memref<128x16xf32, #tpu.memory_space<vmem>>) target(%dma_start3A_52 : memref<10240x16xf32, #tpu.memory_space<vmem_shared>>) offsets(%dma_start3A_49 : memref<128xi32, #tpu.memory_space<vmem>>) semaphore(%run_scoped3A : memref<!tpu.dma_semaphore, #tpu.memory_space<semaphore_mem>>) {add = true}
          %dma_wait3A = arith.constant 0 : i32
          %dma_wait3A_53 = tpu.memref_slice %arg5[%add3A_47, %dma_wait3A] : memref<8x128xi32, #tpu.memory_space<vmem>> -> memref<1x128xi32, #tpu.memory_space<vmem>>
          %dma_wait3A_54 = tpu.memref_squeeze %dma_wait3A_53 : memref<1x128xi32, #tpu.memory_space<vmem>> -> memref<128xi32, #tpu.memory_space<vmem>>
          %dma_wait3A_55 = arith.constant 0 : i32
          %dma_wait3A_56 = arith.constant 0 : i32
          %dma_wait3A_57 = tpu.memref_slice %arg4[%dma_wait3A_55, %dma_wait3A_56] : memref<10240x16xf32, #tpu.memory_space<vmem_shared>> -> memref<10240x16xf32, #tpu.memory_space<vmem_shared>>
          tpu.wait_indirect_dma semaphore(%run_scoped3A : memref<!tpu.dma_semaphore, #tpu.memory_space<semaphore_mem>>) src(%arg6 : memref<128x16xf32, #tpu.memory_space<vmem>>) dst(%dma_wait3A_57 : memref<10240x16xf32, #tpu.memory_space<vmem_shared>>)
          tpu.yield
        }) : () -> ()
      }
      %scan3A_42 = arith.constant 8 : i32
    }
    %scan3A_22 = arith.constant 10 : i32
    %barrier3A_23 = arith.constant 0 : index
    tpu.barrier barrier_id(%barrier3A_23)
    %mul3A_24 = arith.constant 640 : i32
    %mul3A_25 = arith.muli %arg1, %mul3A_24 : i32
    %mul3A_26 = arith.constant 10240 : i32
    %mul3A_27 = arith.muli %arg0, %mul3A_26 : i32
    %mul3A_28 = arith.constant 640 : i32
    %mul3A_29 = arith.muli %arg1, %mul3A_28 : i32
    %add3A_30 = arith.addi %mul3A_27, %mul3A_29 : i32
    "tpu.region"() ({
      %run_scoped3A = tpu.sem_alloc : memref<!tpu.dma_semaphore, #tpu.memory_space<semaphore_mem>>
      %dma_start3A = arith.constant 0 : i32
      %dma_start3A_31 = tpu.memref_slice %arg3[%add3A_30, %dma_start3A] : memref<20480x16xf32, #tpu.memory_space<hbm>> -> memref<640x16xf32, #tpu.memory_space<hbm>>
      %dma_start3A_32 = arith.constant 0 : i32
      %dma_start3A_33 = tpu.memref_slice %arg4[%mul3A_25, %dma_start3A_32] : memref<10240x16xf32, #tpu.memory_space<vmem_shared>> -> memref<640x16xf32, #tpu.memory_space<vmem_shared>>
      tpu.enqueue_dma source(%dma_start3A_33 : memref<640x16xf32, #tpu.memory_space<vmem_shared>>) target(%dma_start3A_31 : memref<640x16xf32, #tpu.memory_space<hbm>>) target_semaphore(%run_scoped3A : memref<!tpu.dma_semaphore, #tpu.memory_space<semaphore_mem>>)
      %dma_wait3A = arith.constant 0 : i32
      %dma_wait3A_34 = tpu.memref_slice %arg3[%add3A_30, %dma_wait3A] : memref<20480x16xf32, #tpu.memory_space<hbm>> -> memref<640x16xf32, #tpu.memory_space<hbm>>
      %dma_wait3A_35 = arith.constant 0 : i32
      %dma_wait3A_36 = tpu.memref_slice %arg4[%mul3A_25, %dma_wait3A_35] : memref<10240x16xf32, #tpu.memory_space<vmem_shared>> -> memref<640x16xf32, #tpu.memory_space<vmem_shared>>
      tpu.wait_dma2 semaphore(%run_scoped3A : memref<!tpu.dma_semaphore, #tpu.memory_space<semaphore_mem>>) src(%dma_wait3A_36 : memref<640x16xf32, #tpu.memory_space<vmem_shared>>) dst(%dma_wait3A_34 : memref<640x16xf32, #tpu.memory_space<hbm>>)
      tpu.yield
    }) : () -> ()
    return
  }
}

#map = affine_map<(d0, d1) -> (0, 0)>
#map1 = affine_map<(d0, d1) -> (0, 0, 0)>
module attributes {stable_mosaic.version = 14 : i64} {
  func.func @_scatter_body(%arg0: i32, %arg1: i32, %arg2: memref<10000x128xf32, #tpu.memory_space<hbm>>, %arg3: memref<32x80x128xi32, #tpu.memory_space<hbm>>, %arg4: memref<32x80x128xi32, #tpu.memory_space<hbm>>, %arg5: memref<20480x128xf32, #tpu.memory_space<hbm>>, %arg6: memref<10240x128xf32, #tpu.memory_space<vmem_shared>>, %arg7: memref<8x128xi32, #tpu.memory_space<vmem>>, %arg8: memref<8x128xi32, #tpu.memory_space<vmem>>, %arg9: memref<128x128xf32, #tpu.memory_space<vmem>>, %arg10: memref<128x128xf32, #tpu.memory_space<vmem>>, %arg11: memref<!tpu.dma_semaphore, #tpu.memory_space<semaphore_mem>>, %arg12: memref<!tpu.dma_semaphore, #tpu.memory_space<semaphore_mem>>) attributes {dimension_semantics = [#tpu.dimension_semantics<core_parallel>, #tpu.dimension_semantics<subcore_parallel>], iteration_bounds = array<i64: 2, 16>, scalar_prefetch = 0 : i64, scratch_operands = 7 : i64, tpu.core_type = #tpu.core_type<sc_vector_subcore>, window_params = [{transform_indices = #map}, {transform_indices = #map1}, {transform_indices = #map1}, {transform_indices = #map}]} {
    %mul3A = arith.constant 16 : i32
    %mul3A_0 = arith.muli %arg0, %mul3A : i32
    %add3A = arith.addi %mul3A_0, %arg1 : i32
    %broadcast_in_dim3A = arith.constant 0.000000e+00 : f32
    %broadcast_in_dim3A_1 = vector.broadcast %broadcast_in_dim3A : f32 to vector<1x16xf32>
    %scan3A = arith.constant 0 : i32
    %scan3A_2 = arith.constant 128 : i32
    %scan3A_3 = arith.addi %scan3A, %scan3A_2 : i32
    %scan3A_4 = arith.constant 1 : i32
    scf.for %scan3A_24 = %scan3A to %scan3A_3 step %scan3A_4  : i32 {
      %mul3A_25 = arith.constant 1 : i32
      %mul3A_26 = arith.muli %scan3A_24, %mul3A_25 : i32
      %add3A_27 = arith.constant 0 : i32
      %add3A_28 = arith.addi %add3A_27, %mul3A_26 : i32
      %scan3A_29 = arith.constant 0 : i32
      %scan3A_30 = arith.constant 8 : i32
      %scan3A_31 = arith.addi %scan3A_29, %scan3A_30 : i32
      %scan3A_32 = arith.constant 1 : i32
      scf.for %scan3A_34 = %scan3A_29 to %scan3A_31 step %scan3A_32  : i32 {
        %mul3A_35 = arith.constant 16 : i32
        %mul3A_36 = arith.muli %scan3A_34, %mul3A_35 : i32
        %add3A_37 = arith.constant 0 : i32
        %add3A_38 = arith.addi %add3A_37, %mul3A_36 : i32
        %swap3A = arith.index_cast %add3A_28 : i32 to index
        %swap3A_39 = arith.index_cast %add3A_38 : i32 to index
        %swap3A_40 = tpu.vector_load %arg9[%swap3A, %swap3A_39] {strides = array<i32>} : memref<128x128xf32, #tpu.memory_space<vmem>>, vector<1x16xf32>,
        %swap3A_41 = vector.shape_cast %swap3A_40 : vector<1x16xf32> to vector<1x16xf32>
        %swap3A_42 = vector.shape_cast %broadcast_in_dim3A_1 : vector<1x16xf32> to vector<1x16xf32>
        tpu.vector_store %arg9[%swap3A, %swap3A_39], %swap3A_42 {strides = array<i32>} : memref<128x128xf32, #tpu.memory_space<vmem>>, vector<1x16xf32>,
      }
      %scan3A_33 = arith.constant 8 : i32
    }
    %scan3A_5 = arith.constant 128 : i32
    %scan3A_6 = arith.constant 0 : i32
    %scan3A_7 = arith.constant 5 : i32
    %scan3A_8 = arith.addi %scan3A_6, %scan3A_7 : i32
    %scan3A_9 = arith.constant 1 : i32
    scf.for %scan3A_24 = %scan3A_6 to %scan3A_8 step %scan3A_9  : i32 {
      %mul3A_25 = arith.constant 1 : i32
      %mul3A_26 = arith.muli %scan3A_24, %mul3A_25 : i32
      %add3A_27 = arith.constant 0 : i32
      %add3A_28 = arith.addi %add3A_27, %mul3A_26 : i32
      %mul3A_29 = arith.constant 640 : i32
      %mul3A_30 = arith.muli %arg1, %mul3A_29 : i32
      %mul3A_31 = arith.constant 128 : i32
      %mul3A_32 = arith.muli %add3A_28, %mul3A_31 : i32
      %add3A_33 = arith.addi %mul3A_30, %mul3A_32 : i32
      "tpu.region"() ({
        %run_scoped3A = tpu.sem_alloc : memref<!tpu.dma_semaphore, #tpu.memory_space<semaphore_mem>>
        %dma_start3A = arith.constant 0 : i32
        %dma_start3A_34 = tpu.memref_slice %arg6[%add3A_33, %dma_start3A] : memref<10240x128xf32, #tpu.memory_space<vmem_shared>> -> memref<128x128xf32, #tpu.memory_space<vmem_shared>>
        %dma_start3A_35 = arith.constant 0 : i32
        %dma_start3A_36 = tpu.memref_slice %arg6[%add3A_33, %dma_start3A_35] : memref<10240x128xf32, #tpu.memory_space<vmem_shared>> -> memref<128x128xf32, #tpu.memory_space<vmem_shared>>
        tpu.enqueue_dma source(%arg9 : memref<128x128xf32, #tpu.memory_space<vmem>>) target(%dma_start3A_36 : memref<128x128xf32, #tpu.memory_space<vmem_shared>>) target_semaphore(%run_scoped3A : memref<!tpu.dma_semaphore, #tpu.memory_space<semaphore_mem>>)
        %dma_wait3A = arith.constant 0 : i32
        %dma_wait3A_37 = tpu.memref_slice %arg6[%add3A_33, %dma_wait3A] : memref<10240x128xf32, #tpu.memory_space<vmem_shared>> -> memref<128x128xf32, #tpu.memory_space<vmem_shared>>
        %dma_wait3A_38 = arith.constant 0 : i32
        %dma_wait3A_39 = tpu.memref_slice %arg6[%add3A_33, %dma_wait3A_38] : memref<10240x128xf32, #tpu.memory_space<vmem_shared>> -> memref<128x128xf32, #tpu.memory_space<vmem_shared>>
        tpu.wait_dma2 semaphore(%run_scoped3A : memref<!tpu.dma_semaphore, #tpu.memory_space<semaphore_mem>>) src(%arg9 : memref<128x128xf32, #tpu.memory_space<vmem>>) dst(%dma_wait3A_39 : memref<128x128xf32, #tpu.memory_space<vmem_shared>>)
        tpu.yield
      }) : () -> ()
    }
    %scan3A_10 = arith.constant 5 : i32
    %barrier3A = arith.constant 0 : index
    tpu.barrier barrier_id(%barrier3A)
    %scan3A_11 = arith.constant 0 : i32
    %scan3A_12 = arith.constant 10 : i32
    %scan3A_13 = arith.addi %scan3A_11, %scan3A_12 : i32
    %scan3A_14 = arith.constant 1 : i32
    scf.for %scan3A_24 = %scan3A_11 to %scan3A_13 step %scan3A_14  : i32 {
      %mul3A_25 = arith.constant 1 : i32
      %mul3A_26 = arith.muli %scan3A_24, %mul3A_25 : i32
      %add3A_27 = arith.constant 0 : i32
      %add3A_28 = arith.addi %add3A_27, %mul3A_26 : i32
      %mul3A_29 = arith.constant 8 : i32
      %mul3A_30 = arith.muli %add3A_28, %mul3A_29 : i32
      "tpu.region"() ({
        %run_scoped3A_65 = tpu.sem_alloc : memref<!tpu.dma_semaphore, #tpu.memory_space<semaphore_mem>>
        %dma_start3A_66 = arith.constant 0 : i32
        %dma_start3A_67 = tpu.memref_slice %arg3[%add3A, %mul3A_30, %dma_start3A_66] : memref<32x80x128xi32, #tpu.memory_space<hbm>> -> memref<1x8x128xi32, #tpu.memory_space<hbm>>
        %dma_start3A_68 = tpu.memref_squeeze %dma_start3A_67 : memref<1x8x128xi32, #tpu.memory_space<hbm>> -> memref<8x128xi32, #tpu.memory_space<hbm>>
        %dma_start3A_69 = arith.constant 0 : i32
        %dma_start3A_70 = tpu.memref_slice %arg3[%add3A, %mul3A_30, %dma_start3A_69] : memref<32x80x128xi32, #tpu.memory_space<hbm>> -> memref<1x8x128xi32, #tpu.memory_space<hbm>>
        %dma_start3A_71 = tpu.memref_squeeze %dma_start3A_70 : memref<1x8x128xi32, #tpu.memory_space<hbm>> -> memref<8x128xi32, #tpu.memory_space<hbm>>
        tpu.enqueue_dma source(%dma_start3A_71 : memref<8x128xi32, #tpu.memory_space<hbm>>) target(%arg7 : memref<8x128xi32, #tpu.memory_space<vmem>>) target_semaphore(%run_scoped3A_65 : memref<!tpu.dma_semaphore, #tpu.memory_space<semaphore_mem>>)
        %dma_wait3A_72 = arith.constant 0 : i32
        %dma_wait3A_73 = tpu.memref_slice %arg3[%add3A, %mul3A_30, %dma_wait3A_72] : memref<32x80x128xi32, #tpu.memory_space<hbm>> -> memref<1x8x128xi32, #tpu.memory_space<hbm>>
        %dma_wait3A_74 = tpu.memref_squeeze %dma_wait3A_73 : memref<1x8x128xi32, #tpu.memory_space<hbm>> -> memref<8x128xi32, #tpu.memory_space<hbm>>
        %dma_wait3A_75 = arith.constant 0 : i32
        %dma_wait3A_76 = tpu.memref_slice %arg3[%add3A, %mul3A_30, %dma_wait3A_75] : memref<32x80x128xi32, #tpu.memory_space<hbm>> -> memref<1x8x128xi32, #tpu.memory_space<hbm>>
        %dma_wait3A_77 = tpu.memref_squeeze %dma_wait3A_76 : memref<1x8x128xi32, #tpu.memory_space<hbm>> -> memref<8x128xi32, #tpu.memory_space<hbm>>
        tpu.wait_dma2 semaphore(%run_scoped3A_65 : memref<!tpu.dma_semaphore, #tpu.memory_space<semaphore_mem>>) src(%dma_wait3A_77 : memref<8x128xi32, #tpu.memory_space<hbm>>) dst(%arg7 : memref<8x128xi32, #tpu.memory_space<vmem>>)
        tpu.yield
      }) : () -> ()
      %mul3A_31 = arith.constant 8 : i32
      %mul3A_32 = arith.muli %add3A_28, %mul3A_31 : i32
      "tpu.region"() ({
        %run_scoped3A_65 = tpu.sem_alloc : memref<!tpu.dma_semaphore, #tpu.memory_space<semaphore_mem>>
        %dma_start3A_66 = arith.constant 0 : i32
        %dma_start3A_67 = tpu.memref_slice %arg4[%add3A, %mul3A_32, %dma_start3A_66] : memref<32x80x128xi32, #tpu.memory_space<hbm>> -> memref<1x8x128xi32, #tpu.memory_space<hbm>>
        %dma_start3A_68 = tpu.memref_squeeze %dma_start3A_67 : memref<1x8x128xi32, #tpu.memory_space<hbm>> -> memref<8x128xi32, #tpu.memory_space<hbm>>
        %dma_start3A_69 = arith.constant 0 : i32
        %dma_start3A_70 = tpu.memref_slice %arg4[%add3A, %mul3A_32, %dma_start3A_69] : memref<32x80x128xi32, #tpu.memory_space<hbm>> -> memref<1x8x128xi32, #tpu.memory_space<hbm>>
        %dma_start3A_71 = tpu.memref_squeeze %dma_start3A_70 : memref<1x8x128xi32, #tpu.memory_space<hbm>> -> memref<8x128xi32, #tpu.memory_space<hbm>>
        tpu.enqueue_dma source(%dma_start3A_71 : memref<8x128xi32, #tpu.memory_space<hbm>>) target(%arg8 : memref<8x128xi32, #tpu.memory_space<vmem>>) target_semaphore(%run_scoped3A_65 : memref<!tpu.dma_semaphore, #tpu.memory_space<semaphore_mem>>)
        %dma_wait3A_72 = arith.constant 0 : i32
        %dma_wait3A_73 = tpu.memref_slice %arg4[%add3A, %mul3A_32, %dma_wait3A_72] : memref<32x80x128xi32, #tpu.memory_space<hbm>> -> memref<1x8x128xi32, #tpu.memory_space<hbm>>
        %dma_wait3A_74 = tpu.memref_squeeze %dma_wait3A_73 : memref<1x8x128xi32, #tpu.memory_space<hbm>> -> memref<8x128xi32, #tpu.memory_space<hbm>>
        %dma_wait3A_75 = arith.constant 0 : i32
        %dma_wait3A_76 = tpu.memref_slice %arg4[%add3A, %mul3A_32, %dma_wait3A_75] : memref<32x80x128xi32, #tpu.memory_space<hbm>> -> memref<1x8x128xi32, #tpu.memory_space<hbm>>
        %dma_wait3A_77 = tpu.memref_squeeze %dma_wait3A_76 : memref<1x8x128xi32, #tpu.memory_space<hbm>> -> memref<8x128xi32, #tpu.memory_space<hbm>>
        tpu.wait_dma2 semaphore(%run_scoped3A_65 : memref<!tpu.dma_semaphore, #tpu.memory_space<semaphore_mem>>) src(%dma_wait3A_77 : memref<8x128xi32, #tpu.memory_space<hbm>>) dst(%arg8 : memref<8x128xi32, #tpu.memory_space<vmem>>)
        tpu.yield
      }) : () -> ()
      %dma_start3A = arith.constant 0 : i32
      %dma_start3A_33 = arith.constant 0 : i32
      %dma_start3A_34 = tpu.memref_slice %arg7[%dma_start3A, %dma_start3A_33] : memref<8x128xi32, #tpu.memory_space<vmem>> -> memref<1x128xi32, #tpu.memory_space<vmem>>
      %dma_start3A_35 = tpu.memref_squeeze %dma_start3A_34 : memref<1x128xi32, #tpu.memory_space<vmem>> -> memref<128xi32, #tpu.memory_space<vmem>>
      %dma_start3A_36 = arith.constant 0 : i32
      %dma_start3A_37 = arith.constant 0 : i32
      %dma_start3A_38 = tpu.memref_slice %arg2[%dma_start3A_36, %dma_start3A_37] : memref<10000x128xf32, #tpu.memory_space<hbm>> -> memref<10000x128xf32, #tpu.memory_space<hbm>>
      tpu.enqueue_indirect_dma source(%dma_start3A_38 : memref<10000x128xf32, #tpu.memory_space<hbm>>) target(%arg9 : memref<128x128xf32, #tpu.memory_space<vmem>>) offsets(%dma_start3A_35 : memref<128xi32, #tpu.memory_space<vmem>>) semaphore(%arg11 : memref<!tpu.dma_semaphore, #tpu.memory_space<semaphore_mem>>)
      %dma_start3A_39 = arith.constant 1 : i32
      %dma_start3A_40 = arith.constant 0 : i32
      %dma_start3A_41 = tpu.memref_slice %arg7[%dma_start3A_39, %dma_start3A_40] : memref<8x128xi32, #tpu.memory_space<vmem>> -> memref<1x128xi32, #tpu.memory_space<vmem>>
      %dma_start3A_42 = tpu.memref_squeeze %dma_start3A_41 : memref<1x128xi32, #tpu.memory_space<vmem>> -> memref<128xi32, #tpu.memory_space<vmem>>
      %dma_start3A_43 = arith.constant 0 : i32
      %dma_start3A_44 = arith.constant 0 : i32
      %dma_start3A_45 = tpu.memref_slice %arg2[%dma_start3A_43, %dma_start3A_44] : memref<10000x128xf32, #tpu.memory_space<hbm>> -> memref<10000x128xf32, #tpu.memory_space<hbm>>
      tpu.enqueue_indirect_dma source(%dma_start3A_45 : memref<10000x128xf32, #tpu.memory_space<hbm>>) target(%arg10 : memref<128x128xf32, #tpu.memory_space<vmem>>) offsets(%dma_start3A_42 : memref<128xi32, #tpu.memory_space<vmem>>) semaphore(%arg12 : memref<!tpu.dma_semaphore, #tpu.memory_space<semaphore_mem>>)
      %scan3A_46 = arith.constant 0 : i32
      %scan3A_47 = arith.constant 3 : i32
      %scan3A_48 = arith.addi %scan3A_46, %scan3A_47 : i32
      %scan3A_49 = arith.constant 1 : i32
      scf.for %scan3A_65 = %scan3A_46 to %scan3A_48 step %scan3A_49  : i32 {
        %mul3A_66 = arith.constant 2 : i32
        %mul3A_67 = arith.muli %scan3A_65, %mul3A_66 : i32
        %add3A_68 = arith.constant 0 : i32
        %add3A_69 = arith.addi %add3A_68, %mul3A_67 : i32
        %add3A_70 = arith.constant 0 : i32
        %add3A_71 = arith.addi %add3A_69, %add3A_70 : i32
        %dma_wait3A_72 = arith.constant 0 : i32
        %dma_wait3A_73 = tpu.memref_slice %arg7[%add3A_71, %dma_wait3A_72] : memref<8x128xi32, #tpu.memory_space<vmem>> -> memref<1x128xi32, #tpu.memory_space<vmem>>
        %dma_wait3A_74 = tpu.memref_squeeze %dma_wait3A_73 : memref<1x128xi32, #tpu.memory_space<vmem>> -> memref<128xi32, #tpu.memory_space<vmem>>
        %dma_wait3A_75 = arith.constant 0 : i32
        %dma_wait3A_76 = arith.constant 0 : i32
        %dma_wait3A_77 = tpu.memref_slice %arg2[%dma_wait3A_75, %dma_wait3A_76] : memref<10000x128xf32, #tpu.memory_space<hbm>> -> memref<10000x128xf32, #tpu.memory_space<hbm>>
        tpu.wait_indirect_dma semaphore(%arg11 : memref<!tpu.dma_semaphore, #tpu.memory_space<semaphore_mem>>) src(%dma_wait3A_77 : memref<10000x128xf32, #tpu.memory_space<hbm>>) dst(%arg9 : memref<128x128xf32, #tpu.memory_space<vmem>>)
        %add3A_78 = arith.constant 0 : i32
        %add3A_79 = arith.addi %add3A_69, %add3A_78 : i32
        "tpu.region"() ({
          %run_scoped3A_110 = tpu.sem_alloc : memref<!tpu.dma_semaphore, #tpu.memory_space<semaphore_mem>>
          %dma_start3A_111 = arith.constant 0 : i32
          %dma_start3A_112 = tpu.memref_slice %arg8[%add3A_79, %dma_start3A_111] : memref<8x128xi32, #tpu.memory_space<vmem>> -> memref<1x128xi32, #tpu.memory_space<vmem>>
          %dma_start3A_113 = tpu.memref_squeeze %dma_start3A_112 : memref<1x128xi32, #tpu.memory_space<vmem>> -> memref<128xi32, #tpu.memory_space<vmem>>
          %dma_start3A_114 = arith.constant 0 : i32
          %dma_start3A_115 = arith.constant 0 : i32
          %dma_start3A_116 = tpu.memref_slice %arg6[%dma_start3A_114, %dma_start3A_115] : memref<10240x128xf32, #tpu.memory_space<vmem_shared>> -> memref<10240x128xf32, #tpu.memory_space<vmem_shared>>
          tpu.enqueue_indirect_dma source(%arg9 : memref<128x128xf32, #tpu.memory_space<vmem>>) target(%dma_start3A_116 : memref<10240x128xf32, #tpu.memory_space<vmem_shared>>) offsets(%dma_start3A_113 : memref<128xi32, #tpu.memory_space<vmem>>) semaphore(%run_scoped3A_110 : memref<!tpu.dma_semaphore, #tpu.memory_space<semaphore_mem>>) {add = true}
          %dma_wait3A_117 = arith.constant 0 : i32
          %dma_wait3A_118 = tpu.memref_slice %arg8[%add3A_79, %dma_wait3A_117] : memref<8x128xi32, #tpu.memory_space<vmem>> -> memref<1x128xi32, #tpu.memory_space<vmem>>
          %dma_wait3A_119 = tpu.memref_squeeze %dma_wait3A_118 : memref<1x128xi32, #tpu.memory_space<vmem>> -> memref<128xi32, #tpu.memory_space<vmem>>
          %dma_wait3A_120 = arith.constant 0 : i32
          %dma_wait3A_121 = arith.constant 0 : i32
          %dma_wait3A_122 = tpu.memref_slice %arg6[%dma_wait3A_120, %dma_wait3A_121] : memref<10240x128xf32, #tpu.memory_space<vmem_shared>> -> memref<10240x128xf32, #tpu.memory_space<vmem_shared>>
          tpu.wait_indirect_dma semaphore(%run_scoped3A_110 : memref<!tpu.dma_semaphore, #tpu.memory_space<semaphore_mem>>) src(%arg9 : memref<128x128xf32, #tpu.memory_space<vmem>>) dst(%dma_wait3A_122 : memref<10240x128xf32, #tpu.memory_space<vmem_shared>>)
          tpu.yield
        }) : () -> ()
        %add3A_80 = arith.constant 0 : i32
        %add3A_81 = arith.addi %add3A_69, %add3A_80 : i32
        %add3A_82 = arith.constant 2 : i32
        %add3A_83 = arith.addi %add3A_81, %add3A_82 : i32
        %dma_start3A_84 = arith.constant 0 : i32
        %dma_start3A_85 = tpu.memref_slice %arg7[%add3A_83, %dma_start3A_84] : memref<8x128xi32, #tpu.memory_space<vmem>> -> memref<1x128xi32, #tpu.memory_space<vmem>>
        %dma_start3A_86 = tpu.memref_squeeze %dma_start3A_85 : memref<1x128xi32, #tpu.memory_space<vmem>> -> memref<128xi32, #tpu.memory_space<vmem>>
        %dma_start3A_87 = arith.constant 0 : i32
        %dma_start3A_88 = arith.constant 0 : i32
        %dma_start3A_89 = tpu.memref_slice %arg2[%dma_start3A_87, %dma_start3A_88] : memref<10000x128xf32, #tpu.memory_space<hbm>> -> memref<10000x128xf32, #tpu.memory_space<hbm>>
        tpu.enqueue_indirect_dma source(%dma_start3A_89 : memref<10000x128xf32, #tpu.memory_space<hbm>>) target(%arg9 : memref<128x128xf32, #tpu.memory_space<vmem>>) offsets(%dma_start3A_86 : memref<128xi32, #tpu.memory_space<vmem>>) semaphore(%arg11 : memref<!tpu.dma_semaphore, #tpu.memory_space<semaphore_mem>>)
        %add3A_90 = arith.constant 1 : i32
        %add3A_91 = arith.addi %add3A_69, %add3A_90 : i32
        %dma_wait3A_92 = arith.constant 0 : i32
        %dma_wait3A_93 = tpu.memref_slice %arg7[%add3A_91, %dma_wait3A_92] : memref<8x128xi32, #tpu.memory_space<vmem>> -> memref<1x128xi32, #tpu.memory_space<vmem>>
        %dma_wait3A_94 = tpu.memref_squeeze %dma_wait3A_93 : memref<1x128xi32, #tpu.memory_space<vmem>> -> memref<128xi32, #tpu.memory_space<vmem>>
        %dma_wait3A_95 = arith.constant 0 : i32
        %dma_wait3A_96 = arith.constant 0 : i32
        %dma_wait3A_97 = tpu.memref_slice %arg2[%dma_wait3A_95, %dma_wait3A_96] : memref<10000x128xf32, #tpu.memory_space<hbm>> -> memref<10000x128xf32, #tpu.memory_space<hbm>>
        tpu.wait_indirect_dma semaphore(%arg12 : memref<!tpu.dma_semaphore, #tpu.memory_space<semaphore_mem>>) src(%dma_wait3A_97 : memref<10000x128xf32, #tpu.memory_space<hbm>>) dst(%arg10 : memref<128x128xf32, #tpu.memory_space<vmem>>)
        %add3A_98 = arith.constant 1 : i32
        %add3A_99 = arith.addi %add3A_69, %add3A_98 : i32
        "tpu.region"() ({
          %run_scoped3A_110 = tpu.sem_alloc : memref<!tpu.dma_semaphore, #tpu.memory_space<semaphore_mem>>
          %dma_start3A_111 = arith.constant 0 : i32
          %dma_start3A_112 = tpu.memref_slice %arg8[%add3A_99, %dma_start3A_111] : memref<8x128xi32, #tpu.memory_space<vmem>> -> memref<1x128xi32, #tpu.memory_space<vmem>>
          %dma_start3A_113 = tpu.memref_squeeze %dma_start3A_112 : memref<1x128xi32, #tpu.memory_space<vmem>> -> memref<128xi32, #tpu.memory_space<vmem>>
          %dma_start3A_114 = arith.constant 0 : i32
          %dma_start3A_115 = arith.constant 0 : i32
          %dma_start3A_116 = tpu.memref_slice %arg6[%dma_start3A_114, %dma_start3A_115] : memref<10240x128xf32, #tpu.memory_space<vmem_shared>> -> memref<10240x128xf32, #tpu.memory_space<vmem_shared>>
          tpu.enqueue_indirect_dma source(%arg10 : memref<128x128xf32, #tpu.memory_space<vmem>>) target(%dma_start3A_116 : memref<10240x128xf32, #tpu.memory_space<vmem_shared>>) offsets(%dma_start3A_113 : memref<128xi32, #tpu.memory_space<vmem>>) semaphore(%run_scoped3A_110 : memref<!tpu.dma_semaphore, #tpu.memory_space<semaphore_mem>>) {add = true}
          %dma_wait3A_117 = arith.constant 0 : i32
          %dma_wait3A_118 = tpu.memref_slice %arg8[%add3A_99, %dma_wait3A_117] : memref<8x128xi32, #tpu.memory_space<vmem>> -> memref<1x128xi32, #tpu.memory_space<vmem>>
          %dma_wait3A_119 = tpu.memref_squeeze %dma_wait3A_118 : memref<1x128xi32, #tpu.memory_space<vmem>> -> memref<128xi32, #tpu.memory_space<vmem>>
          %dma_wait3A_120 = arith.constant 0 : i32
          %dma_wait3A_121 = arith.constant 0 : i32
          %dma_wait3A_122 = tpu.memref_slice %arg6[%dma_wait3A_120, %dma_wait3A_121] : memref<10240x128xf32, #tpu.memory_space<vmem_shared>> -> memref<10240x128xf32, #tpu.memory_space<vmem_shared>>
          tpu.wait_indirect_dma semaphore(%run_scoped3A_110 : memref<!tpu.dma_semaphore, #tpu.memory_space<semaphore_mem>>) src(%arg10 : memref<128x128xf32, #tpu.memory_space<vmem>>) dst(%dma_wait3A_122 : memref<10240x128xf32, #tpu.memory_space<vmem_shared>>)
          tpu.yield
        }) : () -> ()
        %add3A_100 = arith.constant 1 : i32
        %add3A_101 = arith.addi %add3A_69, %add3A_100 : i32
        %add3A_102 = arith.constant 2 : i32
        %add3A_103 = arith.addi %add3A_101, %add3A_102 : i32
        %dma_start3A_104 = arith.constant 0 : i32
        %dma_start3A_105 = tpu.memref_slice %arg7[%add3A_103, %dma_start3A_104] : memref<8x128xi32, #tpu.memory_space<vmem>> -> memref<1x128xi32, #tpu.memory_space<vmem>>
        %dma_start3A_106 = tpu.memref_squeeze %dma_start3A_105 : memref<1x128xi32, #tpu.memory_space<vmem>> -> memref<128xi32, #tpu.memory_space<vmem>>
        %dma_start3A_107 = arith.constant 0 : i32
        %dma_start3A_108 = arith.constant 0 : i32
        %dma_start3A_109 = tpu.memref_slice %arg2[%dma_start3A_107, %dma_start3A_108] : memref<10000x128xf32, #tpu.memory_space<hbm>> -> memref<10000x128xf32, #tpu.memory_space<hbm>>
        tpu.enqueue_indirect_dma source(%dma_start3A_109 : memref<10000x128xf32, #tpu.memory_space<hbm>>) target(%arg10 : memref<128x128xf32, #tpu.memory_space<vmem>>) offsets(%dma_start3A_106 : memref<128xi32, #tpu.memory_space<vmem>>) semaphore(%arg12 : memref<!tpu.dma_semaphore, #tpu.memory_space<semaphore_mem>>)
      }
      %scan3A_50 = arith.constant 3 : i32
      %dma_wait3A = arith.constant 6 : i32
      %dma_wait3A_51 = arith.constant 0 : i32
      %dma_wait3A_52 = tpu.memref_slice %arg7[%dma_wait3A, %dma_wait3A_51] : memref<8x128xi32, #tpu.memory_space<vmem>> -> memref<1x128xi32, #tpu.memory_space<vmem>>
      %dma_wait3A_53 = tpu.memref_squeeze %dma_wait3A_52 : memref<1x128xi32, #tpu.memory_space<vmem>> -> memref<128xi32, #tpu.memory_space<vmem>>
      %dma_wait3A_54 = arith.constant 0 : i32
      %dma_wait3A_55 = arith.constant 0 : i32
      %dma_wait3A_56 = tpu.memref_slice %arg2[%dma_wait3A_54, %dma_wait3A_55] : memref<10000x128xf32, #tpu.memory_space<hbm>> -> memref<10000x128xf32, #tpu.memory_space<hbm>>
      tpu.wait_indirect_dma semaphore(%arg11 : memref<!tpu.dma_semaphore, #tpu.memory_space<semaphore_mem>>) src(%dma_wait3A_56 : memref<10000x128xf32, #tpu.memory_space<hbm>>) dst(%arg9 : memref<128x128xf32, #tpu.memory_space<vmem>>)
      %run_scoped3A = arith.constant 6 : i32
      "tpu.region"() ({
        %run_scoped3A_65 = tpu.sem_alloc : memref<!tpu.dma_semaphore, #tpu.memory_space<semaphore_mem>>
        %dma_start3A_66 = arith.constant 0 : i32
        %dma_start3A_67 = tpu.memref_slice %arg8[%run_scoped3A, %dma_start3A_66] : memref<8x128xi32, #tpu.memory_space<vmem>> -> memref<1x128xi32, #tpu.memory_space<vmem>>
        %dma_start3A_68 = tpu.memref_squeeze %dma_start3A_67 : memref<1x128xi32, #tpu.memory_space<vmem>> -> memref<128xi32, #tpu.memory_space<vmem>>
        %dma_start3A_69 = arith.constant 0 : i32
        %dma_start3A_70 = arith.constant 0 : i32
        %dma_start3A_71 = tpu.memref_slice %arg6[%dma_start3A_69, %dma_start3A_70] : memref<10240x128xf32, #tpu.memory_space<vmem_shared>> -> memref<10240x128xf32, #tpu.memory_space<vmem_shared>>
        tpu.enqueue_indirect_dma source(%arg9 : memref<128x128xf32, #tpu.memory_space<vmem>>) target(%dma_start3A_71 : memref<10240x128xf32, #tpu.memory_space<vmem_shared>>) offsets(%dma_start3A_68 : memref<128xi32, #tpu.memory_space<vmem>>) semaphore(%run_scoped3A_65 : memref<!tpu.dma_semaphore, #tpu.memory_space<semaphore_mem>>) {add = true}
        %dma_wait3A_72 = arith.constant 0 : i32
        %dma_wait3A_73 = tpu.memref_slice %arg8[%run_scoped3A, %dma_wait3A_72] : memref<8x128xi32, #tpu.memory_space<vmem>> -> memref<1x128xi32, #tpu.memory_space<vmem>>
        %dma_wait3A_74 = tpu.memref_squeeze %dma_wait3A_73 : memref<1x128xi32, #tpu.memory_space<vmem>> -> memref<128xi32, #tpu.memory_space<vmem>>
        %dma_wait3A_75 = arith.constant 0 : i32
        %dma_wait3A_76 = arith.constant 0 : i32
        %dma_wait3A_77 = tpu.memref_slice %arg6[%dma_wait3A_75, %dma_wait3A_76] : memref<10240x128xf32, #tpu.memory_space<vmem_shared>> -> memref<10240x128xf32, #tpu.memory_space<vmem_shared>>
        tpu.wait_indirect_dma semaphore(%run_scoped3A_65 : memref<!tpu.dma_semaphore, #tpu.memory_space<semaphore_mem>>) src(%arg9 : memref<128x128xf32, #tpu.memory_space<vmem>>) dst(%dma_wait3A_77 : memref<10240x128xf32, #tpu.memory_space<vmem_shared>>)
        tpu.yield
      }) : () -> ()
      %dma_wait3A_57 = arith.constant 7 : i32
      %dma_wait3A_58 = arith.constant 0 : i32
      %dma_wait3A_59 = tpu.memref_slice %arg7[%dma_wait3A_57, %dma_wait3A_58] : memref<8x128xi32, #tpu.memory_space<vmem>> -> memref<1x128xi32, #tpu.memory_space<vmem>>
      %dma_wait3A_60 = tpu.memref_squeeze %dma_wait3A_59 : memref<1x128xi32, #tpu.memory_space<vmem>> -> memref<128xi32, #tpu.memory_space<vmem>>
      %dma_wait3A_61 = arith.constant 0 : i32
      %dma_wait3A_62 = arith.constant 0 : i32
      %dma_wait3A_63 = tpu.memref_slice %arg2[%dma_wait3A_61, %dma_wait3A_62] : memref<10000x128xf32, #tpu.memory_space<hbm>> -> memref<10000x128xf32, #tpu.memory_space<hbm>>
      tpu.wait_indirect_dma semaphore(%arg12 : memref<!tpu.dma_semaphore, #tpu.memory_space<semaphore_mem>>) src(%dma_wait3A_63 : memref<10000x128xf32, #tpu.memory_space<hbm>>) dst(%arg10 : memref<128x128xf32, #tpu.memory_space<vmem>>)
      %run_scoped3A_64 = arith.constant 7 : i32
      "tpu.region"() ({
        %run_scoped3A_65 = tpu.sem_alloc : memref<!tpu.dma_semaphore, #tpu.memory_space<semaphore_mem>>
        %dma_start3A_66 = arith.constant 0 : i32
        %dma_start3A_67 = tpu.memref_slice %arg8[%run_scoped3A_64, %dma_start3A_66] : memref<8x128xi32, #tpu.memory_space<vmem>> -> memref<1x128xi32, #tpu.memory_space<vmem>>
        %dma_start3A_68 = tpu.memref_squeeze %dma_start3A_67 : memref<1x128xi32, #tpu.memory_space<vmem>> -> memref<128xi32, #tpu.memory_space<vmem>>
        %dma_start3A_69 = arith.constant 0 : i32
        %dma_start3A_70 = arith.constant 0 : i32
        %dma_start3A_71 = tpu.memref_slice %arg6[%dma_start3A_69, %dma_start3A_70] : memref<10240x128xf32, #tpu.memory_space<vmem_shared>> -> memref<10240x128xf32, #tpu.memory_space<vmem_shared>>
        tpu.enqueue_indirect_dma source(%arg10 : memref<128x128xf32, #tpu.memory_space<vmem>>) target(%dma_start3A_71 : memref<10240x128xf32, #tpu.memory_space<vmem_shared>>) offsets(%dma_start3A_68 : memref<128xi32, #tpu.memory_space<vmem>>) semaphore(%run_scoped3A_65 : memref<!tpu.dma_semaphore, #tpu.memory_space<semaphore_mem>>) {add = true}
        %dma_wait3A_72 = arith.constant 0 : i32
        %dma_wait3A_73 = tpu.memref_slice %arg8[%run_scoped3A_64, %dma_wait3A_72] : memref<8x128xi32, #tpu.memory_space<vmem>> -> memref<1x128xi32, #tpu.memory_space<vmem>>
        %dma_wait3A_74 = tpu.memref_squeeze %dma_wait3A_73 : memref<1x128xi32, #tpu.memory_space<vmem>> -> memref<128xi32, #tpu.memory_space<vmem>>
        %dma_wait3A_75 = arith.constant 0 : i32
        %dma_wait3A_76 = arith.constant 0 : i32
        %dma_wait3A_77 = tpu.memref_slice %arg6[%dma_wait3A_75, %dma_wait3A_76] : memref<10240x128xf32, #tpu.memory_space<vmem_shared>> -> memref<10240x128xf32, #tpu.memory_space<vmem_shared>>
        tpu.wait_indirect_dma semaphore(%run_scoped3A_65 : memref<!tpu.dma_semaphore, #tpu.memory_space<semaphore_mem>>) src(%arg10 : memref<128x128xf32, #tpu.memory_space<vmem>>) dst(%dma_wait3A_77 : memref<10240x128xf32, #tpu.memory_space<vmem_shared>>)
        tpu.yield
      }) : () -> ()
    }
    %scan3A_15 = arith.constant 10 : i32
    %barrier3A_16 = arith.constant 0 : index
    tpu.barrier barrier_id(%barrier3A_16)
    %mul3A_17 = arith.constant 640 : i32
    %mul3A_18 = arith.muli %arg1, %mul3A_17 : i32
    %mul3A_19 = arith.constant 10240 : i32
    %mul3A_20 = arith.muli %arg0, %mul3A_19 : i32
    %mul3A_21 = arith.constant 640 : i32
    %mul3A_22 = arith.muli %arg1, %mul3A_21 : i32
    %add3A_23 = arith.addi %mul3A_20, %mul3A_22 : i32
    "tpu.region"() ({
      %run_scoped3A = tpu.sem_alloc : memref<!tpu.dma_semaphore, #tpu.memory_space<semaphore_mem>>
      %dma_start3A = arith.constant 0 : i32
      %dma_start3A_24 = tpu.memref_slice %arg5[%add3A_23, %dma_start3A] : memref<20480x128xf32, #tpu.memory_space<hbm>> -> memref<640x128xf32, #tpu.memory_space<hbm>>
      %dma_start3A_25 = arith.constant 0 : i32
      %dma_start3A_26 = tpu.memref_slice %arg6[%mul3A_18, %dma_start3A_25] : memref<10240x128xf32, #tpu.memory_space<vmem_shared>> -> memref<640x128xf32, #tpu.memory_space<vmem_shared>>
      tpu.enqueue_dma source(%dma_start3A_26 : memref<640x128xf32, #tpu.memory_space<vmem_shared>>) target(%dma_start3A_24 : memref<640x128xf32, #tpu.memory_space<hbm>>) target_semaphore(%run_scoped3A : memref<!tpu.dma_semaphore, #tpu.memory_space<semaphore_mem>>)
      %dma_wait3A = arith.constant 0 : i32
      %dma_wait3A_27 = tpu.memref_slice %arg5[%add3A_23, %dma_wait3A] : memref<20480x128xf32, #tpu.memory_space<hbm>> -> memref<640x128xf32, #tpu.memory_space<hbm>>
      %dma_wait3A_28 = arith.constant 0 : i32
      %dma_wait3A_29 = tpu.memref_slice %arg6[%mul3A_18, %dma_wait3A_28] : memref<10240x128xf32, #tpu.memory_space<vmem_shared>> -> memref<640x128xf32, #tpu.memory_space<vmem_shared>>
      tpu.wait_dma2 semaphore(%run_scoped3A : memref<!tpu.dma_semaphore, #tpu.memory_space<semaphore_mem>>) src(%dma_wait3A_29 : memref<640x128xf32, #tpu.memory_space<vmem_shared>>) dst(%dma_wait3A_27 : memref<640x128xf32, #tpu.memory_space<hbm>>)
      tpu.yield
    }) : () -> ()
    return
  }
}

#map = affine_map<(d0, d1) -> (0, 0)>
#map1 = affine_map<(d0, d1) -> (0, 0, 0)>
module attributes {stable_mosaic.version = 14 : i64} {
  func.func @_scatter_body(%arg0: i32, %arg1: i32, %arg2: memref<10000x128xf32, #tpu.memory_space<hbm>>, %arg3: memref<32x80x128xi32, #tpu.memory_space<hbm>>, %arg4: memref<32x80x128xi32, #tpu.memory_space<hbm>>, %arg5: memref<20480x128xf32, #tpu.memory_space<hbm>>, %arg6: memref<10240x128xf32, #tpu.memory_space<vmem_shared>>, %arg7: memref<8x128xi32, #tpu.memory_space<vmem>>, %arg8: memref<8x128xi32, #tpu.memory_space<vmem>>, %arg9: memref<128x128xf32, #tpu.memory_space<vmem>>, %arg10: memref<128x128xf32, #tpu.memory_space<vmem>>, %arg11: memref<!tpu.dma_semaphore, #tpu.memory_space<semaphore_mem>>, %arg12: memref<!tpu.dma_semaphore, #tpu.memory_space<semaphore_mem>>) attributes {dimension_semantics = [#tpu.dimension_semantics<core_parallel>, #tpu.dimension_semantics<subcore_parallel>], iteration_bounds = array<i64: 2, 16>, scalar_prefetch = 0 : i64, scratch_operands = 7 : i64, tpu.core_type = #tpu.core_type<sc_vector_subcore>, window_params = [{transform_indices = #map}, {transform_indices = #map1}, {transform_indices = #map1}, {transform_indices = #map}]} {
    %mul3A = arith.constant 16 : i32
    %mul3A_0 = arith.muli %arg0, %mul3A : i32
    %add3A = arith.addi %mul3A_0, %arg1 : i32
    %broadcast_in_dim3A = arith.constant 0.000000e+00 : f32
    %broadcast_in_dim3A_1 = vector.broadcast %broadcast_in_dim3A : f32 to vector<1x16xf32>
    %scan3A = arith.constant 0 : i32
    %scan3A_2 = arith.constant 128 : i32
    %scan3A_3 = arith.addi %scan3A, %scan3A_2 : i32
    %scan3A_4 = arith.constant 1 : i32
    scf.for %scan3A_24 = %scan3A to %scan3A_3 step %scan3A_4  : i32 {
      %mul3A_25 = arith.constant 1 : i32
      %mul3A_26 = arith.muli %scan3A_24, %mul3A_25 : i32
      %add3A_27 = arith.constant 0 : i32
      %add3A_28 = arith.addi %add3A_27, %mul3A_26 : i32
      %scan3A_29 = arith.constant 0 : i32
      %scan3A_30 = arith.constant 8 : i32
      %scan3A_31 = arith.addi %scan3A_29, %scan3A_30 : i32
      %scan3A_32 = arith.constant 1 : i32
      scf.for %scan3A_34 = %scan3A_29 to %scan3A_31 step %scan3A_32  : i32 {
        %mul3A_35 = arith.constant 16 : i32
        %mul3A_36 = arith.muli %scan3A_34, %mul3A_35 : i32
        %add3A_37 = arith.constant 0 : i32
        %add3A_38 = arith.addi %add3A_37, %mul3A_36 : i32
        %swap3A = arith.index_cast %add3A_28 : i32 to index
        %swap3A_39 = arith.index_cast %add3A_38 : i32 to index
        %swap3A_40 = tpu.vector_load %arg9[%swap3A, %swap3A_39] {strides = array<i32>} : memref<128x128xf32, #tpu.memory_space<vmem>>, vector<1x16xf32>,
        %swap3A_41 = vector.shape_cast %swap3A_40 : vector<1x16xf32> to vector<1x16xf32>
        %swap3A_42 = vector.shape_cast %broadcast_in_dim3A_1 : vector<1x16xf32> to vector<1x16xf32>
        tpu.vector_store %arg9[%swap3A, %swap3A_39], %swap3A_42 {strides = array<i32>} : memref<128x128xf32, #tpu.memory_space<vmem>>, vector<1x16xf32>,
      }
      %scan3A_33 = arith.constant 8 : i32
    }
    %scan3A_5 = arith.constant 128 : i32
    %scan3A_6 = arith.constant 0 : i32
    %scan3A_7 = arith.constant 5 : i32
    %scan3A_8 = arith.addi %scan3A_6, %scan3A_7 : i32
    %scan3A_9 = arith.constant 1 : i32
    scf.for %scan3A_24 = %scan3A_6 to %scan3A_8 step %scan3A_9  : i32 {
      %mul3A_25 = arith.constant 1 : i32
      %mul3A_26 = arith.muli %scan3A_24, %mul3A_25 : i32
      %add3A_27 = arith.constant 0 : i32
      %add3A_28 = arith.addi %add3A_27, %mul3A_26 : i32
      %mul3A_29 = arith.constant 640 : i32
      %mul3A_30 = arith.muli %arg1, %mul3A_29 : i32
      %mul3A_31 = arith.constant 128 : i32
      %mul3A_32 = arith.muli %add3A_28, %mul3A_31 : i32
      %add3A_33 = arith.addi %mul3A_30, %mul3A_32 : i32
      "tpu.region"() ({
        %run_scoped3A = tpu.sem_alloc : memref<!tpu.dma_semaphore, #tpu.memory_space<semaphore_mem>>
        %dma_start3A = arith.constant 0 : i32
        %dma_start3A_34 = tpu.memref_slice %arg6[%add3A_33, %dma_start3A] : memref<10240x128xf32, #tpu.memory_space<vmem_shared>> -> memref<128x128xf32, #tpu.memory_space<vmem_shared>>
        %dma_start3A_35 = arith.constant 0 : i32
        %dma_start3A_36 = tpu.memref_slice %arg6[%add3A_33, %dma_start3A_35] : memref<10240x128xf32, #tpu.memory_space<vmem_shared>> -> memref<128x128xf32, #tpu.memory_space<vmem_shared>>
        tpu.enqueue_dma source(%arg9 : memref<128x128xf32, #tpu.memory_space<vmem>>) target(%dma_start3A_36 : memref<128x128xf32, #tpu.memory_space<vmem_shared>>) target_semaphore(%run_scoped3A : memref<!tpu.dma_semaphore, #tpu.memory_space<semaphore_mem>>)
        %dma_wait3A = arith.constant 0 : i32
        %dma_wait3A_37 = tpu.memref_slice %arg6[%add3A_33, %dma_wait3A] : memref<10240x128xf32, #tpu.memory_space<vmem_shared>> -> memref<128x128xf32, #tpu.memory_space<vmem_shared>>
        %dma_wait3A_38 = arith.constant 0 : i32
        %dma_wait3A_39 = tpu.memref_slice %arg6[%add3A_33, %dma_wait3A_38] : memref<10240x128xf32, #tpu.memory_space<vmem_shared>> -> memref<128x128xf32, #tpu.memory_space<vmem_shared>>
        tpu.wait_dma2 semaphore(%run_scoped3A : memref<!tpu.dma_semaphore, #tpu.memory_space<semaphore_mem>>) src(%arg9 : memref<128x128xf32, #tpu.memory_space<vmem>>) dst(%dma_wait3A_39 : memref<128x128xf32, #tpu.memory_space<vmem_shared>>)
        tpu.yield
      }) : () -> ()
    }
    %scan3A_10 = arith.constant 5 : i32
    %barrier3A = arith.constant 0 : index
    tpu.barrier barrier_id(%barrier3A)
    %scan3A_11 = arith.constant 0 : i32
    %scan3A_12 = arith.constant 10 : i32
    %scan3A_13 = arith.addi %scan3A_11, %scan3A_12 : i32
    %scan3A_14 = arith.constant 1 : i32
    scf.for %scan3A_24 = %scan3A_11 to %scan3A_13 step %scan3A_14  : i32 {
      %mul3A_25 = arith.constant 1 : i32
      %mul3A_26 = arith.muli %scan3A_24, %mul3A_25 : i32
      %add3A_27 = arith.constant 0 : i32
      %add3A_28 = arith.addi %add3A_27, %mul3A_26 : i32
      %mul3A_29 = arith.constant 8 : i32
      %mul3A_30 = arith.muli %add3A_28, %mul3A_29 : i32
      "tpu.region"() ({
        %run_scoped3A_65 = tpu.sem_alloc : memref<!tpu.dma_semaphore, #tpu.memory_space<semaphore_mem>>
        %dma_start3A_66 = arith.constant 0 : i32
        %dma_start3A_67 = tpu.memref_slice %arg3[%add3A, %mul3A_30, %dma_start3A_66] : memref<32x80x128xi32, #tpu.memory_space<hbm>> -> memref<1x8x128xi32, #tpu.memory_space<hbm>>
        %dma_start3A_68 = tpu.memref_squeeze %dma_start3A_67 : memref<1x8x128xi32, #tpu.memory_space<hbm>> -> memref<8x128xi32, #tpu.memory_space<hbm>>
        %dma_start3A_69 = arith.constant 0 : i32
        %dma_start3A_70 = tpu.memref_slice %arg3[%add3A, %mul3A_30, %dma_start3A_69] : memref<32x80x128xi32, #tpu.memory_space<hbm>> -> memref<1x8x128xi32, #tpu.memory_space<hbm>>
        %dma_start3A_71 = tpu.memref_squeeze %dma_start3A_70 : memref<1x8x128xi32, #tpu.memory_space<hbm>> -> memref<8x128xi32, #tpu.memory_space<hbm>>
        tpu.enqueue_dma source(%dma_start3A_71 : memref<8x128xi32, #tpu.memory_space<hbm>>) target(%arg7 : memref<8x128xi32, #tpu.memory_space<vmem>>) target_semaphore(%run_scoped3A_65 : memref<!tpu.dma_semaphore, #tpu.memory_space<semaphore_mem>>)
        %dma_wait3A_72 = arith.constant 0 : i32
        %dma_wait3A_73 = tpu.memref_slice %arg3[%add3A, %mul3A_30, %dma_wait3A_72] : memref<32x80x128xi32, #tpu.memory_space<hbm>> -> memref<1x8x128xi32, #tpu.memory_space<hbm>>
        %dma_wait3A_74 = tpu.memref_squeeze %dma_wait3A_73 : memref<1x8x128xi32, #tpu.memory_space<hbm>> -> memref<8x128xi32, #tpu.memory_space<hbm>>
        %dma_wait3A_75 = arith.constant 0 : i32
        %dma_wait3A_76 = tpu.memref_slice %arg3[%add3A, %mul3A_30, %dma_wait3A_75] : memref<32x80x128xi32, #tpu.memory_space<hbm>> -> memref<1x8x128xi32, #tpu.memory_space<hbm>>
        %dma_wait3A_77 = tpu.memref_squeeze %dma_wait3A_76 : memref<1x8x128xi32, #tpu.memory_space<hbm>> -> memref<8x128xi32, #tpu.memory_space<hbm>>
        tpu.wait_dma2 semaphore(%run_scoped3A_65 : memref<!tpu.dma_semaphore, #tpu.memory_space<semaphore_mem>>) src(%dma_wait3A_77 : memref<8x128xi32, #tpu.memory_space<hbm>>) dst(%arg7 : memref<8x128xi32, #tpu.memory_space<vmem>>)
        tpu.yield
      }) : () -> ()
      %mul3A_31 = arith.constant 8 : i32
      %mul3A_32 = arith.muli %add3A_28, %mul3A_31 : i32
      "tpu.region"() ({
        %run_scoped3A_65 = tpu.sem_alloc : memref<!tpu.dma_semaphore, #tpu.memory_space<semaphore_mem>>
        %dma_start3A_66 = arith.constant 0 : i32
        %dma_start3A_67 = tpu.memref_slice %arg4[%add3A, %mul3A_32, %dma_start3A_66] : memref<32x80x128xi32, #tpu.memory_space<hbm>> -> memref<1x8x128xi32, #tpu.memory_space<hbm>>
        %dma_start3A_68 = tpu.memref_squeeze %dma_start3A_67 : memref<1x8x128xi32, #tpu.memory_space<hbm>> -> memref<8x128xi32, #tpu.memory_space<hbm>>
        %dma_start3A_69 = arith.constant 0 : i32
        %dma_start3A_70 = tpu.memref_slice %arg4[%add3A, %mul3A_32, %dma_start3A_69] : memref<32x80x128xi32, #tpu.memory_space<hbm>> -> memref<1x8x128xi32, #tpu.memory_space<hbm>>
        %dma_start3A_71 = tpu.memref_squeeze %dma_start3A_70 : memref<1x8x128xi32, #tpu.memory_space<hbm>> -> memref<8x128xi32, #tpu.memory_space<hbm>>
        tpu.enqueue_dma source(%dma_start3A_71 : memref<8x128xi32, #tpu.memory_space<hbm>>) target(%arg8 : memref<8x128xi32, #tpu.memory_space<vmem>>) target_semaphore(%run_scoped3A_65 : memref<!tpu.dma_semaphore, #tpu.memory_space<semaphore_mem>>)
        %dma_wait3A_72 = arith.constant 0 : i32
        %dma_wait3A_73 = tpu.memref_slice %arg4[%add3A, %mul3A_32, %dma_wait3A_72] : memref<32x80x128xi32, #tpu.memory_space<hbm>> -> memref<1x8x128xi32, #tpu.memory_space<hbm>>
        %dma_wait3A_74 = tpu.memref_squeeze %dma_wait3A_73 : memref<1x8x128xi32, #tpu.memory_space<hbm>> -> memref<8x128xi32, #tpu.memory_space<hbm>>
        %dma_wait3A_75 = arith.constant 0 : i32
        %dma_wait3A_76 = tpu.memref_slice %arg4[%add3A, %mul3A_32, %dma_wait3A_75] : memref<32x80x128xi32, #tpu.memory_space<hbm>> -> memref<1x8x128xi32, #tpu.memory_space<hbm>>
        %dma_wait3A_77 = tpu.memref_squeeze %dma_wait3A_76 : memref<1x8x128xi32, #tpu.memory_space<hbm>> -> memref<8x128xi32, #tpu.memory_space<hbm>>
        tpu.wait_dma2 semaphore(%run_scoped3A_65 : memref<!tpu.dma_semaphore, #tpu.memory_space<semaphore_mem>>) src(%dma_wait3A_77 : memref<8x128xi32, #tpu.memory_space<hbm>>) dst(%arg8 : memref<8x128xi32, #tpu.memory_space<vmem>>)
        tpu.yield
      }) : () -> ()
      %dma_start3A = arith.constant 0 : i32
      %dma_start3A_33 = arith.constant 0 : i32
      %dma_start3A_34 = tpu.memref_slice %arg7[%dma_start3A, %dma_start3A_33] : memref<8x128xi32, #tpu.memory_space<vmem>> -> memref<1x128xi32, #tpu.memory_space<vmem>>
      %dma_start3A_35 = tpu.memref_squeeze %dma_start3A_34 : memref<1x128xi32, #tpu.memory_space<vmem>> -> memref<128xi32, #tpu.memory_space<vmem>>
      %dma_start3A_36 = arith.constant 0 : i32
      %dma_start3A_37 = arith.constant 0 : i32
      %dma_start3A_38 = tpu.memref_slice %arg2[%dma_start3A_36, %dma_start3A_37] : memref<10000x128xf32, #tpu.memory_space<hbm>> -> memref<10000x128xf32, #tpu.memory_space<hbm>>
      tpu.enqueue_indirect_dma source(%dma_start3A_38 : memref<10000x128xf32, #tpu.memory_space<hbm>>) target(%arg9 : memref<128x128xf32, #tpu.memory_space<vmem>>) offsets(%dma_start3A_35 : memref<128xi32, #tpu.memory_space<vmem>>) semaphore(%arg11 : memref<!tpu.dma_semaphore, #tpu.memory_space<semaphore_mem>>)
      %dma_start3A_39 = arith.constant 1 : i32
      %dma_start3A_40 = arith.constant 0 : i32
      %dma_start3A_41 = tpu.memref_slice %arg7[%dma_start3A_39, %dma_start3A_40] : memref<8x128xi32, #tpu.memory_space<vmem>> -> memref<1x128xi32, #tpu.memory_space<vmem>>
      %dma_start3A_42 = tpu.memref_squeeze %dma_start3A_41 : memref<1x128xi32, #tpu.memory_space<vmem>> -> memref<128xi32, #tpu.memory_space<vmem>>
      %dma_start3A_43 = arith.constant 0 : i32
      %dma_start3A_44 = arith.constant 0 : i32
      %dma_start3A_45 = tpu.memref_slice %arg2[%dma_start3A_43, %dma_start3A_44] : memref<10000x128xf32, #tpu.memory_space<hbm>> -> memref<10000x128xf32, #tpu.memory_space<hbm>>
      tpu.enqueue_indirect_dma source(%dma_start3A_45 : memref<10000x128xf32, #tpu.memory_space<hbm>>) target(%arg10 : memref<128x128xf32, #tpu.memory_space<vmem>>) offsets(%dma_start3A_42 : memref<128xi32, #tpu.memory_space<vmem>>) semaphore(%arg12 : memref<!tpu.dma_semaphore, #tpu.memory_space<semaphore_mem>>)
      %scan3A_46 = arith.constant 0 : i32
      %scan3A_47 = arith.constant 3 : i32
      %scan3A_48 = arith.addi %scan3A_46, %scan3A_47 : i32
      %scan3A_49 = arith.constant 1 : i32
      scf.for %scan3A_65 = %scan3A_46 to %scan3A_48 step %scan3A_49  : i32 {
        %mul3A_66 = arith.constant 2 : i32
        %mul3A_67 = arith.muli %scan3A_65, %mul3A_66 : i32
        %add3A_68 = arith.constant 0 : i32
        %add3A_69 = arith.addi %add3A_68, %mul3A_67 : i32
        %add3A_70 = arith.constant 0 : i32
        %add3A_71 = arith.addi %add3A_69, %add3A_70 : i32
        %dma_wait3A_72 = arith.constant 0 : i32
        %dma_wait3A_73 = tpu.memref_slice %arg7[%add3A_71, %dma_wait3A_72] : memref<8x128xi32, #tpu.memory_space<vmem>> -> memref<1x128xi32, #tpu.memory_space<vmem>>
        %dma_wait3A_74 = tpu.memref_squeeze %dma_wait3A_73 : memref<1x128xi32, #tpu.memory_space<vmem>> -> memref<128xi32, #tpu.memory_space<vmem>>
        %dma_wait3A_75 = arith.constant 0 : i32
        %dma_wait3A_76 = arith.constant 0 : i32
        %dma_wait3A_77 = tpu.memref_slice %arg2[%dma_wait3A_75, %dma_wait3A_76] : memref<10000x128xf32, #tpu.memory_space<hbm>> -> memref<10000x128xf32, #tpu.memory_space<hbm>>
        tpu.wait_indirect_dma semaphore(%arg11 : memref<!tpu.dma_semaphore, #tpu.memory_space<semaphore_mem>>) src(%dma_wait3A_77 : memref<10000x128xf32, #tpu.memory_space<hbm>>) dst(%arg9 : memref<128x128xf32, #tpu.memory_space<vmem>>)
        %add3A_78 = arith.constant 0 : i32
        %add3A_79 = arith.addi %add3A_69, %add3A_78 : i32
        "tpu.region"() ({
          %run_scoped3A_110 = tpu.sem_alloc : memref<!tpu.dma_semaphore, #tpu.memory_space<semaphore_mem>>
          %dma_start3A_111 = arith.constant 0 : i32
          %dma_start3A_112 = tpu.memref_slice %arg8[%add3A_79, %dma_start3A_111] : memref<8x128xi32, #tpu.memory_space<vmem>> -> memref<1x128xi32, #tpu.memory_space<vmem>>
          %dma_start3A_113 = tpu.memref_squeeze %dma_start3A_112 : memref<1x128xi32, #tpu.memory_space<vmem>> -> memref<128xi32, #tpu.memory_space<vmem>>
          %dma_start3A_114 = arith.constant 0 : i32
          %dma_start3A_115 = arith.constant 0 : i32
          %dma_start3A_116 = tpu.memref_slice %arg6[%dma_start3A_114, %dma_start3A_115] : memref<10240x128xf32, #tpu.memory_space<vmem_shared>> -> memref<10240x128xf32, #tpu.memory_space<vmem_shared>>
          tpu.enqueue_indirect_dma source(%arg9 : memref<128x128xf32, #tpu.memory_space<vmem>>) target(%dma_start3A_116 : memref<10240x128xf32, #tpu.memory_space<vmem_shared>>) offsets(%dma_start3A_113 : memref<128xi32, #tpu.memory_space<vmem>>) semaphore(%run_scoped3A_110 : memref<!tpu.dma_semaphore, #tpu.memory_space<semaphore_mem>>) {add = true}
          %dma_wait3A_117 = arith.constant 0 : i32
          %dma_wait3A_118 = tpu.memref_slice %arg8[%add3A_79, %dma_wait3A_117] : memref<8x128xi32, #tpu.memory_space<vmem>> -> memref<1x128xi32, #tpu.memory_space<vmem>>
          %dma_wait3A_119 = tpu.memref_squeeze %dma_wait3A_118 : memref<1x128xi32, #tpu.memory_space<vmem>> -> memref<128xi32, #tpu.memory_space<vmem>>
          %dma_wait3A_120 = arith.constant 0 : i32
          %dma_wait3A_121 = arith.constant 0 : i32
          %dma_wait3A_122 = tpu.memref_slice %arg6[%dma_wait3A_120, %dma_wait3A_121] : memref<10240x128xf32, #tpu.memory_space<vmem_shared>> -> memref<10240x128xf32, #tpu.memory_space<vmem_shared>>
          tpu.wait_indirect_dma semaphore(%run_scoped3A_110 : memref<!tpu.dma_semaphore, #tpu.memory_space<semaphore_mem>>) src(%arg9 : memref<128x128xf32, #tpu.memory_space<vmem>>) dst(%dma_wait3A_122 : memref<10240x128xf32, #tpu.memory_space<vmem_shared>>)
          tpu.yield
        }) : () -> ()
        %add3A_80 = arith.constant 0 : i32
        %add3A_81 = arith.addi %add3A_69, %add3A_80 : i32
        %add3A_82 = arith.constant 2 : i32
        %add3A_83 = arith.addi %add3A_81, %add3A_82 : i32
        %dma_start3A_84 = arith.constant 0 : i32
        %dma_start3A_85 = tpu.memref_slice %arg7[%add3A_83, %dma_start3A_84] : memref<8x128xi32, #tpu.memory_space<vmem>> -> memref<1x128xi32, #tpu.memory_space<vmem>>
        %dma_start3A_86 = tpu.memref_squeeze %dma_start3A_85 : memref<1x128xi32, #tpu.memory_space<vmem>> -> memref<128xi32, #tpu.memory_space<vmem>>
        %dma_start3A_87 = arith.constant 0 : i32
        %dma_start3A_88 = arith.constant 0 : i32
        %dma_start3A_89 = tpu.memref_slice %arg2[%dma_start3A_87, %dma_start3A_88] : memref<10000x128xf32, #tpu.memory_space<hbm>> -> memref<10000x128xf32, #tpu.memory_space<hbm>>
        tpu.enqueue_indirect_dma source(%dma_start3A_89 : memref<10000x128xf32, #tpu.memory_space<hbm>>) target(%arg9 : memref<128x128xf32, #tpu.memory_space<vmem>>) offsets(%dma_start3A_86 : memref<128xi32, #tpu.memory_space<vmem>>) semaphore(%arg11 : memref<!tpu.dma_semaphore, #tpu.memory_space<semaphore_mem>>)
        %add3A_90 = arith.constant 1 : i32
        %add3A_91 = arith.addi %add3A_69, %add3A_90 : i32
        %dma_wait3A_92 = arith.constant 0 : i32
        %dma_wait3A_93 = tpu.memref_slice %arg7[%add3A_91, %dma_wait3A_92] : memref<8x128xi32, #tpu.memory_space<vmem>> -> memref<1x128xi32, #tpu.memory_space<vmem>>
        %dma_wait3A_94 = tpu.memref_squeeze %dma_wait3A_93 : memref<1x128xi32, #tpu.memory_space<vmem>> -> memref<128xi32, #tpu.memory_space<vmem>>
        %dma_wait3A_95 = arith.constant 0 : i32
        %dma_wait3A_96 = arith.constant 0 : i32
        %dma_wait3A_97 = tpu.memref_slice %arg2[%dma_wait3A_95, %dma_wait3A_96] : memref<10000x128xf32, #tpu.memory_space<hbm>> -> memref<10000x128xf32, #tpu.memory_space<hbm>>
        tpu.wait_indirect_dma semaphore(%arg12 : memref<!tpu.dma_semaphore, #tpu.memory_space<semaphore_mem>>) src(%dma_wait3A_97 : memref<10000x128xf32, #tpu.memory_space<hbm>>) dst(%arg10 : memref<128x128xf32, #tpu.memory_space<vmem>>)
        %add3A_98 = arith.constant 1 : i32
        %add3A_99 = arith.addi %add3A_69, %add3A_98 : i32
        "tpu.region"() ({
          %run_scoped3A_110 = tpu.sem_alloc : memref<!tpu.dma_semaphore, #tpu.memory_space<semaphore_mem>>
          %dma_start3A_111 = arith.constant 0 : i32
          %dma_start3A_112 = tpu.memref_slice %arg8[%add3A_99, %dma_start3A_111] : memref<8x128xi32, #tpu.memory_space<vmem>> -> memref<1x128xi32, #tpu.memory_space<vmem>>
          %dma_start3A_113 = tpu.memref_squeeze %dma_start3A_112 : memref<1x128xi32, #tpu.memory_space<vmem>> -> memref<128xi32, #tpu.memory_space<vmem>>
          %dma_start3A_114 = arith.constant 0 : i32
          %dma_start3A_115 = arith.constant 0 : i32
          %dma_start3A_116 = tpu.memref_slice %arg6[%dma_start3A_114, %dma_start3A_115] : memref<10240x128xf32, #tpu.memory_space<vmem_shared>> -> memref<10240x128xf32, #tpu.memory_space<vmem_shared>>
          tpu.enqueue_indirect_dma source(%arg10 : memref<128x128xf32, #tpu.memory_space<vmem>>) target(%dma_start3A_116 : memref<10240x128xf32, #tpu.memory_space<vmem_shared>>) offsets(%dma_start3A_113 : memref<128xi32, #tpu.memory_space<vmem>>) semaphore(%run_scoped3A_110 : memref<!tpu.dma_semaphore, #tpu.memory_space<semaphore_mem>>) {add = true}
          %dma_wait3A_117 = arith.constant 0 : i32
          %dma_wait3A_118 = tpu.memref_slice %arg8[%add3A_99, %dma_wait3A_117] : memref<8x128xi32, #tpu.memory_space<vmem>> -> memref<1x128xi32, #tpu.memory_space<vmem>>
          %dma_wait3A_119 = tpu.memref_squeeze %dma_wait3A_118 : memref<1x128xi32, #tpu.memory_space<vmem>> -> memref<128xi32, #tpu.memory_space<vmem>>
          %dma_wait3A_120 = arith.constant 0 : i32
          %dma_wait3A_121 = arith.constant 0 : i32
          %dma_wait3A_122 = tpu.memref_slice %arg6[%dma_wait3A_120, %dma_wait3A_121] : memref<10240x128xf32, #tpu.memory_space<vmem_shared>> -> memref<10240x128xf32, #tpu.memory_space<vmem_shared>>
          tpu.wait_indirect_dma semaphore(%run_scoped3A_110 : memref<!tpu.dma_semaphore, #tpu.memory_space<semaphore_mem>>) src(%arg10 : memref<128x128xf32, #tpu.memory_space<vmem>>) dst(%dma_wait3A_122 : memref<10240x128xf32, #tpu.memory_space<vmem_shared>>)
          tpu.yield
        }) : () -> ()
        %add3A_100 = arith.constant 1 : i32
        %add3A_101 = arith.addi %add3A_69, %add3A_100 : i32
        %add3A_102 = arith.constant 2 : i32
        %add3A_103 = arith.addi %add3A_101, %add3A_102 : i32
        %dma_start3A_104 = arith.constant 0 : i32
        %dma_start3A_105 = tpu.memref_slice %arg7[%add3A_103, %dma_start3A_104] : memref<8x128xi32, #tpu.memory_space<vmem>> -> memref<1x128xi32, #tpu.memory_space<vmem>>
        %dma_start3A_106 = tpu.memref_squeeze %dma_start3A_105 : memref<1x128xi32, #tpu.memory_space<vmem>> -> memref<128xi32, #tpu.memory_space<vmem>>
        %dma_start3A_107 = arith.constant 0 : i32
        %dma_start3A_108 = arith.constant 0 : i32
        %dma_start3A_109 = tpu.memref_slice %arg2[%dma_start3A_107, %dma_start3A_108] : memref<10000x128xf32, #tpu.memory_space<hbm>> -> memref<10000x128xf32, #tpu.memory_space<hbm>>
        tpu.enqueue_indirect_dma source(%dma_start3A_109 : memref<10000x128xf32, #tpu.memory_space<hbm>>) target(%arg10 : memref<128x128xf32, #tpu.memory_space<vmem>>) offsets(%dma_start3A_106 : memref<128xi32, #tpu.memory_space<vmem>>) semaphore(%arg12 : memref<!tpu.dma_semaphore, #tpu.memory_space<semaphore_mem>>)
      }
      %scan3A_50 = arith.constant 3 : i32
      %dma_wait3A = arith.constant 6 : i32
      %dma_wait3A_51 = arith.constant 0 : i32
      %dma_wait3A_52 = tpu.memref_slice %arg7[%dma_wait3A, %dma_wait3A_51] : memref<8x128xi32, #tpu.memory_space<vmem>> -> memref<1x128xi32, #tpu.memory_space<vmem>>
      %dma_wait3A_53 = tpu.memref_squeeze %dma_wait3A_52 : memref<1x128xi32, #tpu.memory_space<vmem>> -> memref<128xi32, #tpu.memory_space<vmem>>
      %dma_wait3A_54 = arith.constant 0 : i32
      %dma_wait3A_55 = arith.constant 0 : i32
      %dma_wait3A_56 = tpu.memref_slice %arg2[%dma_wait3A_54, %dma_wait3A_55] : memref<10000x128xf32, #tpu.memory_space<hbm>> -> memref<10000x128xf32, #tpu.memory_space<hbm>>
      tpu.wait_indirect_dma semaphore(%arg11 : memref<!tpu.dma_semaphore, #tpu.memory_space<semaphore_mem>>) src(%dma_wait3A_56 : memref<10000x128xf32, #tpu.memory_space<hbm>>) dst(%arg9 : memref<128x128xf32, #tpu.memory_space<vmem>>)
      %run_scoped3A = arith.constant 6 : i32
      "tpu.region"() ({
        %run_scoped3A_65 = tpu.sem_alloc : memref<!tpu.dma_semaphore, #tpu.memory_space<semaphore_mem>>
        %dma_start3A_66 = arith.constant 0 : i32
        %dma_start3A_67 = tpu.memref_slice %arg8[%run_scoped3A, %dma_start3A_66] : memref<8x128xi32, #tpu.memory_space<vmem>> -> memref<1x128xi32, #tpu.memory_space<vmem>>
        %dma_start3A_68 = tpu.memref_squeeze %dma_start3A_67 : memref<1x128xi32, #tpu.memory_space<vmem>> -> memref<128xi32, #tpu.memory_space<vmem>>
        %dma_start3A_69 = arith.constant 0 : i32
        %dma_start3A_70 = arith.constant 0 : i32
        %dma_start3A_71 = tpu.memref_slice %arg6[%dma_start3A_69, %dma_start3A_70] : memref<10240x128xf32, #tpu.memory_space<vmem_shared>> -> memref<10240x128xf32, #tpu.memory_space<vmem_shared>>
        tpu.enqueue_indirect_dma source(%arg9 : memref<128x128xf32, #tpu.memory_space<vmem>>) target(%dma_start3A_71 : memref<10240x128xf32, #tpu.memory_space<vmem_shared>>) offsets(%dma_start3A_68 : memref<128xi32, #tpu.memory_space<vmem>>) semaphore(%run_scoped3A_65 : memref<!tpu.dma_semaphore, #tpu.memory_space<semaphore_mem>>) {add = true}
        %dma_wait3A_72 = arith.constant 0 : i32
        %dma_wait3A_73 = tpu.memref_slice %arg8[%run_scoped3A, %dma_wait3A_72] : memref<8x128xi32, #tpu.memory_space<vmem>> -> memref<1x128xi32, #tpu.memory_space<vmem>>
        %dma_wait3A_74 = tpu.memref_squeeze %dma_wait3A_73 : memref<1x128xi32, #tpu.memory_space<vmem>> -> memref<128xi32, #tpu.memory_space<vmem>>
        %dma_wait3A_75 = arith.constant 0 : i32
        %dma_wait3A_76 = arith.constant 0 : i32
        %dma_wait3A_77 = tpu.memref_slice %arg6[%dma_wait3A_75, %dma_wait3A_76] : memref<10240x128xf32, #tpu.memory_space<vmem_shared>> -> memref<10240x128xf32, #tpu.memory_space<vmem_shared>>
        tpu.wait_indirect_dma semaphore(%run_scoped3A_65 : memref<!tpu.dma_semaphore, #tpu.memory_space<semaphore_mem>>) src(%arg9 : memref<128x128xf32, #tpu.memory_space<vmem>>) dst(%dma_wait3A_77 : memref<10240x128xf32, #tpu.memory_space<vmem_shared>>)
        tpu.yield
      }) : () -> ()
      %dma_wait3A_57 = arith.constant 7 : i32
      %dma_wait3A_58 = arith.constant 0 : i32
      %dma_wait3A_59 = tpu.memref_slice %arg7[%dma_wait3A_57, %dma_wait3A_58] : memref<8x128xi32, #tpu.memory_space<vmem>> -> memref<1x128xi32, #tpu.memory_space<vmem>>
      %dma_wait3A_60 = tpu.memref_squeeze %dma_wait3A_59 : memref<1x128xi32, #tpu.memory_space<vmem>> -> memref<128xi32, #tpu.memory_space<vmem>>
      %dma_wait3A_61 = arith.constant 0 : i32
      %dma_wait3A_62 = arith.constant 0 : i32
      %dma_wait3A_63 = tpu.memref_slice %arg2[%dma_wait3A_61, %dma_wait3A_62] : memref<10000x128xf32, #tpu.memory_space<hbm>> -> memref<10000x128xf32, #tpu.memory_space<hbm>>
      tpu.wait_indirect_dma semaphore(%arg12 : memref<!tpu.dma_semaphore, #tpu.memory_space<semaphore_mem>>) src(%dma_wait3A_63 : memref<10000x128xf32, #tpu.memory_space<hbm>>) dst(%arg10 : memref<128x128xf32, #tpu.memory_space<vmem>>)
      %run_scoped3A_64 = arith.constant 7 : i32
      "tpu.region"() ({
        %run_scoped3A_65 = tpu.sem_alloc : memref<!tpu.dma_semaphore, #tpu.memory_space<semaphore_mem>>
        %dma_start3A_66 = arith.constant 0 : i32
        %dma_start3A_67 = tpu.memref_slice %arg8[%run_scoped3A_64, %dma_start3A_66] : memref<8x128xi32, #tpu.memory_space<vmem>> -> memref<1x128xi32, #tpu.memory_space<vmem>>
        %dma_start3A_68 = tpu.memref_squeeze %dma_start3A_67 : memref<1x128xi32, #tpu.memory_space<vmem>> -> memref<128xi32, #tpu.memory_space<vmem>>
        %dma_start3A_69 = arith.constant 0 : i32
        %dma_start3A_70 = arith.constant 0 : i32
        %dma_start3A_71 = tpu.memref_slice %arg6[%dma_start3A_69, %dma_start3A_70] : memref<10240x128xf32, #tpu.memory_space<vmem_shared>> -> memref<10240x128xf32, #tpu.memory_space<vmem_shared>>
        tpu.enqueue_indirect_dma source(%arg10 : memref<128x128xf32, #tpu.memory_space<vmem>>) target(%dma_start3A_71 : memref<10240x128xf32, #tpu.memory_space<vmem_shared>>) offsets(%dma_start3A_68 : memref<128xi32, #tpu.memory_space<vmem>>) semaphore(%run_scoped3A_65 : memref<!tpu.dma_semaphore, #tpu.memory_space<semaphore_mem>>) {add = true}
        %dma_wait3A_72 = arith.constant 0 : i32
        %dma_wait3A_73 = tpu.memref_slice %arg8[%run_scoped3A_64, %dma_wait3A_72] : memref<8x128xi32, #tpu.memory_space<vmem>> -> memref<1x128xi32, #tpu.memory_space<vmem>>
        %dma_wait3A_74 = tpu.memref_squeeze %dma_wait3A_73 : memref<1x128xi32, #tpu.memory_space<vmem>> -> memref<128xi32, #tpu.memory_space<vmem>>
        %dma_wait3A_75 = arith.constant 0 : i32
        %dma_wait3A_76 = arith.constant 0 : i32
        %dma_wait3A_77 = tpu.memref_slice %arg6[%dma_wait3A_75, %dma_wait3A_76] : memref<10240x128xf32, #tpu.memory_space<vmem_shared>> -> memref<10240x128xf32, #tpu.memory_space<vmem_shared>>
        tpu.wait_indirect_dma semaphore(%run_scoped3A_65 : memref<!tpu.dma_semaphore, #tpu.memory_space<semaphore_mem>>) src(%arg10 : memref<128x128xf32, #tpu.memory_space<vmem>>) dst(%dma_wait3A_77 : memref<10240x128xf32, #tpu.memory_space<vmem_shared>>)
        tpu.yield
      }) : () -> ()
    }
    %scan3A_15 = arith.constant 10 : i32
    %barrier3A_16 = arith.constant 0 : index
    tpu.barrier barrier_id(%barrier3A_16)
    %mul3A_17 = arith.constant 640 : i32
    %mul3A_18 = arith.muli %arg1, %mul3A_17 : i32
    %mul3A_19 = arith.constant 10240 : i32
    %mul3A_20 = arith.muli %arg0, %mul3A_19 : i32
    %mul3A_21 = arith.constant 640 : i32
    %mul3A_22 = arith.muli %arg1, %mul3A_21 : i32
    %add3A_23 = arith.addi %mul3A_20, %mul3A_22 : i32
    "tpu.region"() ({
      %run_scoped3A = tpu.sem_alloc : memref<!tpu.dma_semaphore, #tpu.memory_space<semaphore_mem>>
      %dma_start3A = arith.constant 0 : i32
      %dma_start3A_24 = tpu.memref_slice %arg5[%add3A_23, %dma_start3A] : memref<20480x128xf32, #tpu.memory_space<hbm>> -> memref<640x128xf32, #tpu.memory_space<hbm>>
      %dma_start3A_25 = arith.constant 0 : i32
      %dma_start3A_26 = tpu.memref_slice %arg6[%mul3A_18, %dma_start3A_25] : memref<10240x128xf32, #tpu.memory_space<vmem_shared>> -> memref<640x128xf32, #tpu.memory_space<vmem_shared>>
      tpu.enqueue_dma source(%dma_start3A_26 : memref<640x128xf32, #tpu.memory_space<vmem_shared>>) target(%dma_start3A_24 : memref<640x128xf32, #tpu.memory_space<hbm>>) target_semaphore(%run_scoped3A : memref<!tpu.dma_semaphore, #tpu.memory_space<semaphore_mem>>)
      %dma_wait3A = arith.constant 0 : i32
      %dma_wait3A_27 = tpu.memref_slice %arg5[%add3A_23, %dma_wait3A] : memref<20480x128xf32, #tpu.memory_space<hbm>> -> memref<640x128xf32, #tpu.memory_space<hbm>>
      %dma_wait3A_28 = arith.constant 0 : i32
      %dma_wait3A_29 = tpu.memref_slice %arg6[%mul3A_18, %dma_wait3A_28] : memref<10240x128xf32, #tpu.memory_space<vmem_shared>> -> memref<640x128xf32, #tpu.memory_space<vmem_shared>>
      tpu.wait_dma2 semaphore(%run_scoped3A : memref<!tpu.dma_semaphore, #tpu.memory_space<semaphore_mem>>) src(%dma_wait3A_29 : memref<640x128xf32, #tpu.memory_space<vmem_shared>>) dst(%dma_wait3A_27 : memref<640x128xf32, #tpu.memory_space<hbm>>)
      tpu.yield
    }) : () -> ()
    return
  }
}

module attributes {stable_mosaic.version = 14 : i64} {
  func.func @body(%arg0: i32, %arg1: memref<1000x128xf32, #tpu.memory_space<vmem>>, %arg2: memref<128x128xf32, #tpu.memory_space<vmem>>, %arg3: memref<1000x128xf32, #tpu.memory_space<vmem>>) attributes {dimension_semantics = [#tpu.dimension_semantics<arbitrary>], iteration_bounds = array<i64: 10>, scalar_prefetch = 0 : i64, scratch_operands = 0 : i64, tpu.core_type = #tpu.core_type<tc>, window_params = [{transform_indices = @transform_0, window_bounds = array<i64: 1000, 128>}, {pipeline_mode = #tpu.pipeline_mode<synchronous>, transform_indices = @transform_1, window_bounds = array<i64: 128, 128>}, {transform_indices = @transform_2, window_bounds = array<i64: 1000, 128>}]} {
    %get3A = arith.constant 0 : index
    %get3A_0 = arith.constant 0 : index
    %get3A_1 = vector.load %arg1[%get3A, %get3A_0] : memref<1000x128xf32, #tpu.memory_space<vmem>>, vector<1000x128xf32>
    %get3A_2 = arith.constant 0 : index
    %get3A_3 = arith.constant 0 : index
    %get3A_4 = vector.load %arg2[%get3A_2, %get3A_3] : memref<128x128xf32, #tpu.memory_space<vmem>>, vector<128x128xf32>
    %dot_general3A = arith.constant dense<0.000000e+00> : vector<1000x128xf32>
    %dot_general3A_5 = tpu.matmul %get3A_1, %get3A_4, %dot_general3A {dimension_numbers = #tpu.dot_dimension_numbers<[1], [0], [0], [1], [0, 0, 1, 1], [], []>, precision = #tpu.contract_precision<fp32>, transpose_lhs_hint = false} : vector<1000x128xf32>, vector<128x128xf32>, vector<1000x128xf32> -> vector<1000x128xf32>
    %swap3A = arith.constant 0 : index
    %swap3A_6 = arith.constant 0 : index
    %swap3A_7 = vector.load %arg3[%swap3A, %swap3A_6] : memref<1000x128xf32, #tpu.memory_space<vmem>>, vector<1000x128xf32>
    tpu.vector_store %arg3[%swap3A, %swap3A_6], %dot_general3A_5 {strides = array<i32>} : memref<1000x128xf32, #tpu.memory_space<vmem>>, vector<1000x128xf32>,
    return
  }
  func.func @transform_0(%arg0: i32) -> (i32, i32) {
    %c0_i32 = arith.constant 0 : i32
    %c0_i32_0 = arith.constant 0 : i32
    return %arg0, %c0_i32 : i32, i32
  }
  func.func @transform_1(%arg0: i32) -> (i32, i32) {
    %c0_i32 = arith.constant 0 : i32
    %c0_i32_0 = arith.constant 0 : i32
    %c0_i32_1 = arith.constant 0 : i32
    return %c0_i32, %c0_i32_0 : i32, i32
  }
  func.func @transform_2(%arg0: i32) -> (i32, i32) {
    %c0_i32 = arith.constant 0 : i32
    %c0_i32_0 = arith.constant 0 : i32
    return %arg0, %c0_i32 : i32, i32
  }
}

module attributes {stable_mosaic.version = 14 : i64} {
  func.func @body(%arg0: i32, %arg1: memref<2x1000x16xf32, #tpu.memory_space<vmem>>, %arg2: memref<1000x128xf32, #tpu.memory_space<vmem>>, %arg3: memref<1000x128xf32, #tpu.memory_space<vmem>>) attributes {dimension_semantics = [#tpu.dimension_semantics<arbitrary>], iteration_bounds = array<i64: 10>, scalar_prefetch = 0 : i64, scratch_operands = 0 : i64, tpu.core_type = #tpu.core_type<tc>, window_params = [{transform_indices = @transform_0, window_bounds = array<i64: 2, 1000, 16>}, {transform_indices = @transform_1, window_bounds = array<i64: 1000, 128>}, {transform_indices = @transform_2, window_bounds = array<i64: 1000, 128>}]} {
    %get3A = arith.constant 0 : index
    %get3A_0 = arith.constant 0 : index
    %get3A_1 = vector.load %arg2[%get3A, %get3A_0] : memref<1000x128xf32, #tpu.memory_space<vmem>>, vector<1000x128xf32>
    %get3A_2 = arith.constant 0 : index
    %get3A_3 = arith.constant 0 : index
    %get3A_4 = arith.constant 0 : index
    %get3A_5 = vector.load %arg1[%get3A_2, %get3A_3, %get3A_4] : memref<2x1000x16xf32, #tpu.memory_space<vmem>>, vector<1x1000x1xf32>
    %get3A_6 = vector.shape_cast %get3A_5 : vector<1x1000x1xf32> to vector<1000x1xf32>
    %add3A = arith.constant 1.000000e+00 : f32
    %add3A_7 = vector.broadcast %add3A : f32 to vector<1000x1xf32>
    %add3A_8 = arith.addf %add3A_7, %get3A_6 : vector<1000x1xf32>
    %get3A_9 = arith.constant 1 : index
    %get3A_10 = arith.constant 0 : index
    %get3A_11 = arith.constant 0 : index
    %get3A_12 = vector.load %arg1[%get3A_9, %get3A_10, %get3A_11] : memref<2x1000x16xf32, #tpu.memory_space<vmem>>, vector<1x1000x1xf32>
    %get3A_13 = vector.shape_cast %get3A_12 : vector<1x1000x1xf32> to vector<1000x1xf32>
    %add3A_14 = arith.addf %add3A_8, %get3A_13 : vector<1000x1xf32>
    %rsqrt3A = math.rsqrt %add3A_14 : vector<1000x1xf32>
    %mul3A = vector.broadcast %rsqrt3A : vector<1000x1xf32> to vector<1000x128xf32>
    %mul3A_15 = arith.mulf %get3A_1, %mul3A : vector<1000x128xf32>
    %swap3A = arith.constant 0 : index
    %swap3A_16 = arith.constant 0 : index
    %swap3A_17 = vector.load %arg3[%swap3A, %swap3A_16] : memref<1000x128xf32, #tpu.memory_space<vmem>>, vector<1000x128xf32>
    tpu.vector_store %arg3[%swap3A, %swap3A_16], %mul3A_15 {strides = array<i32>} : memref<1000x128xf32, #tpu.memory_space<vmem>>, vector<1000x128xf32>,
    return
  }
  func.func @transform_0(%arg0: i32) -> (i32, i32, i32) {
    %c0_i32 = arith.constant 0 : i32
    %c0_i32_0 = arith.constant 0 : i32
    %c0_i32_1 = arith.constant 0 : i32
    return %c0_i32, %arg0, %c0_i32_0 : i32, i32, i32
  }
  func.func @transform_1(%arg0: i32) -> (i32, i32) {
    %c0_i32 = arith.constant 0 : i32
    %c0_i32_0 = arith.constant 0 : i32
    return %arg0, %c0_i32 : i32, i32
  }
  func.func @transform_2(%arg0: i32) -> (i32, i32) {
    %c0_i32 = arith.constant 0 : i32
    %c0_i32_0 = arith.constant 0 : i32
    return %arg0, %c0_i32 : i32, i32
  }
}

module attributes {stable_mosaic.version = 14 : i64} {
  func.func @body(%arg0: i32, %arg1: memref<2x1000x16xf32, #tpu.memory_space<vmem>>, %arg2: memref<2x1000x128xf32, #tpu.memory_space<vmem>>, %arg3: memref<1000x128xf32, #tpu.memory_space<vmem>>, %arg4: memref<1x128xf32, #tpu.memory_space<vmem>>, %arg5: memref<128x128xf32, #tpu.memory_space<vmem>>, %arg6: memref<1000x128xf32, #tpu.memory_space<vmem>>) attributes {dimension_semantics = [#tpu.dimension_semantics<arbitrary>], iteration_bounds = array<i64: 10>, scalar_prefetch = 0 : i64, scratch_operands = 0 : i64, tpu.core_type = #tpu.core_type<tc>, window_params = [{transform_indices = @transform_0, window_bounds = array<i64: 2, 1000, 16>}, {transform_indices = @transform_1, window_bounds = array<i64: 2, 1000, 128>}, {transform_indices = @transform_2, window_bounds = array<i64: 1000, 128>}, {pipeline_mode = #tpu.pipeline_mode<synchronous>, transform_indices = @transform_3, window_bounds = array<i64: 1, 128>}, {pipeline_mode = #tpu.pipeline_mode<synchronous>, transform_indices = @transform_4, window_bounds = array<i64: 128, 128>}, {transform_indices = @transform_5, window_bounds = array<i64: 1000, 128>}]} {
    %get3A = arith.constant 0 : index
    %get3A_0 = arith.constant 0 : index
    %get3A_1 = arith.constant 0 : index
    %get3A_2 = vector.load %arg1[%get3A, %get3A_0, %get3A_1] : memref<2x1000x16xf32, #tpu.memory_space<vmem>>, vector<1x1000x1xf32>
    %get3A_3 = vector.shape_cast %get3A_2 : vector<1x1000x1xf32> to vector<1000x1xf32>
    %add3A = arith.constant 1.000000e+00 : f32
    %add3A_4 = vector.broadcast %add3A : f32 to vector<1000x1xf32>
    %add3A_5 = arith.addf %add3A_4, %get3A_3 : vector<1000x1xf32>
    %get3A_6 = arith.constant 1 : index
    %get3A_7 = arith.constant 0 : index
    %get3A_8 = arith.constant 0 : index
    %get3A_9 = vector.load %arg1[%get3A_6, %get3A_7, %get3A_8] : memref<2x1000x16xf32, #tpu.memory_space<vmem>>, vector<1x1000x1xf32>
    %get3A_10 = vector.shape_cast %get3A_9 : vector<1x1000x1xf32> to vector<1000x1xf32>
    %add3A_11 = arith.addf %add3A_5, %get3A_10 : vector<1000x1xf32>
    %rsqrt3A = math.rsqrt %add3A_11 : vector<1000x1xf32>
    %get3A_12 = arith.constant 0 : index
    %get3A_13 = arith.constant 0 : index
    %get3A_14 = arith.constant 0 : index
    %get3A_15 = vector.load %arg2[%get3A_12, %get3A_13, %get3A_14] : memref<2x1000x128xf32, #tpu.memory_space<vmem>>, vector<1x1000x128xf32>
    %get3A_16 = vector.shape_cast %get3A_15 : vector<1x1000x128xf32> to vector<1000x128xf32>
    %get3A_17 = arith.constant 1 : index
    %get3A_18 = arith.constant 0 : index
    %get3A_19 = arith.constant 0 : index
    %get3A_20 = vector.load %arg2[%get3A_17, %get3A_18, %get3A_19] : memref<2x1000x128xf32, #tpu.memory_space<vmem>>, vector<1x1000x128xf32>
    %get3A_21 = vector.shape_cast %get3A_20 : vector<1x1000x128xf32> to vector<1000x128xf32>
    %add3A_22 = arith.addf %get3A_16, %get3A_21 : vector<1000x128xf32>
    %get3A_23 = arith.constant 0 : index
    %get3A_24 = arith.constant 0 : index
    %get3A_25 = vector.load %arg3[%get3A_23, %get3A_24] : memref<1000x128xf32, #tpu.memory_space<vmem>>, vector<1000x128xf32>
    %add3A_26 = arith.addf %add3A_22, %get3A_25 : vector<1000x128xf32>
    %mul3A = vector.broadcast %rsqrt3A : vector<1000x1xf32> to vector<1000x128xf32>
    %mul3A_27 = arith.mulf %add3A_26, %mul3A : vector<1000x128xf32>
    %get3A_28 = arith.constant 0 : index
    %get3A_29 = arith.constant 0 : index
    %get3A_30 = vector.load %arg4[%get3A_28, %get3A_29] : memref<1x128xf32, #tpu.memory_space<vmem>>, vector<1x128xf32>
    %add3A_31 = vector.broadcast %get3A_30 : vector<1x128xf32> to vector<1000x128xf32>
    %add3A_32 = arith.addf %mul3A_27, %add3A_31 : vector<1000x128xf32>
    %max3A = arith.constant 0.000000e+00 : f32
    %max3A_33 = vector.broadcast %max3A : f32 to vector<1000x128xf32>
    %max3A_34 = arith.maximumf %add3A_32, %max3A_33 : vector<1000x128xf32>
    %get3A_35 = arith.constant 0 : index
    %get3A_36 = arith.constant 0 : index
    %get3A_37 = vector.load %arg5[%get3A_35, %get3A_36] : memref<128x128xf32, #tpu.memory_space<vmem>>, vector<128x128xf32>
    %dot_general3A = arith.constant dense<0.000000e+00> : vector<1000x128xf32>
    %dot_general3A_38 = tpu.matmul %max3A_34, %get3A_37, %dot_general3A {dimension_numbers = #tpu.dot_dimension_numbers<[1], [0], [0], [1], [0, 0, 1, 1], [], []>, precision = #tpu.contract_precision<fp32>, transpose_lhs_hint = false} : vector<1000x128xf32>, vector<128x128xf32>, vector<1000x128xf32> -> vector<1000x128xf32>
    %mul3A_39 = vector.broadcast %rsqrt3A : vector<1000x1xf32> to vector<1000x128xf32>
    %mul3A_40 = arith.mulf %dot_general3A_38, %mul3A_39 : vector<1000x128xf32>
    %swap3A = arith.constant 0 : index
    %swap3A_41 = arith.constant 0 : index
    %swap3A_42 = vector.load %arg6[%swap3A, %swap3A_41] : memref<1000x128xf32, #tpu.memory_space<vmem>>, vector<1000x128xf32>
    tpu.vector_store %arg6[%swap3A, %swap3A_41], %mul3A_40 {strides = array<i32>} : memref<1000x128xf32, #tpu.memory_space<vmem>>, vector<1000x128xf32>,
    return
  }
  func.func @transform_0(%arg0: i32) -> (i32, i32, i32) {
    %c0_i32 = arith.constant 0 : i32
    %c0_i32_0 = arith.constant 0 : i32
    %c0_i32_1 = arith.constant 0 : i32
    return %c0_i32, %arg0, %c0_i32_0 : i32, i32, i32
  }
  func.func @transform_1(%arg0: i32) -> (i32, i32, i32) {
    %c0_i32 = arith.constant 0 : i32
    %c0_i32_0 = arith.constant 0 : i32
    %c0_i32_1 = arith.constant 0 : i32
    return %c0_i32, %arg0, %c0_i32_0 : i32, i32, i32
  }
  func.func @transform_2(%arg0: i32) -> (i32, i32) {
    %c0_i32 = arith.constant 0 : i32
    %c0_i32_0 = arith.constant 0 : i32
    return %arg0, %c0_i32 : i32, i32
  }
  func.func @transform_3(%arg0: i32) -> (i32, i32) {
    %c0_i32 = arith.constant 0 : i32
    %c0_i32_0 = arith.constant 0 : i32
    %c0_i32_1 = arith.constant 0 : i32
    return %c0_i32, %c0_i32_0 : i32, i32
  }
  func.func @transform_4(%arg0: i32) -> (i32, i32) {
    %c0_i32 = arith.constant 0 : i32
    %c0_i32_0 = arith.constant 0 : i32
    %c0_i32_1 = arith.constant 0 : i32
    return %c0_i32, %c0_i32_0 : i32, i32
  }
  func.func @transform_5(%arg0: i32) -> (i32, i32) {
    %c0_i32 = arith.constant 0 : i32
    %c0_i32_0 = arith.constant 0 : i32
    return %arg0, %c0_i32 : i32, i32
  }
}

module attributes {stable_mosaic.version = 14 : i64} {
  func.func @body(%arg0: i32, %arg1: memref<2x1000x16xf32, #tpu.memory_space<vmem>>, %arg2: memref<2x1000x128xf32, #tpu.memory_space<vmem>>, %arg3: memref<1000x128xf32, #tpu.memory_space<vmem>>, %arg4: memref<1x128xf32, #tpu.memory_space<vmem>>, %arg5: memref<1000x128xf32, #tpu.memory_space<vmem>>) attributes {dimension_semantics = [#tpu.dimension_semantics<arbitrary>], iteration_bounds = array<i64: 10>, scalar_prefetch = 0 : i64, scratch_operands = 0 : i64, tpu.core_type = #tpu.core_type<tc>, window_params = [{transform_indices = @transform_0, window_bounds = array<i64: 2, 1000, 16>}, {transform_indices = @transform_1, window_bounds = array<i64: 2, 1000, 128>}, {transform_indices = @transform_2, window_bounds = array<i64: 1000, 128>}, {pipeline_mode = #tpu.pipeline_mode<synchronous>, transform_indices = @transform_3, window_bounds = array<i64: 1, 128>}, {transform_indices = @transform_4, window_bounds = array<i64: 1000, 128>}]} {
    %get3A = arith.constant 0 : index
    %get3A_0 = arith.constant 0 : index
    %get3A_1 = arith.constant 0 : index
    %get3A_2 = vector.load %arg1[%get3A, %get3A_0, %get3A_1] : memref<2x1000x16xf32, #tpu.memory_space<vmem>>, vector<1x1000x1xf32>
    %get3A_3 = vector.shape_cast %get3A_2 : vector<1x1000x1xf32> to vector<1000x1xf32>
    %add3A = arith.constant 1.000000e+00 : f32
    %add3A_4 = vector.broadcast %add3A : f32 to vector<1000x1xf32>
    %add3A_5 = arith.addf %add3A_4, %get3A_3 : vector<1000x1xf32>
    %get3A_6 = arith.constant 1 : index
    %get3A_7 = arith.constant 0 : index
    %get3A_8 = arith.constant 0 : index
    %get3A_9 = vector.load %arg1[%get3A_6, %get3A_7, %get3A_8] : memref<2x1000x16xf32, #tpu.memory_space<vmem>>, vector<1x1000x1xf32>
    %get3A_10 = vector.shape_cast %get3A_9 : vector<1x1000x1xf32> to vector<1000x1xf32>
    %add3A_11 = arith.addf %add3A_5, %get3A_10 : vector<1000x1xf32>
    %rsqrt3A = math.rsqrt %add3A_11 : vector<1000x1xf32>
    %get3A_12 = arith.constant 0 : index
    %get3A_13 = arith.constant 0 : index
    %get3A_14 = arith.constant 0 : index
    %get3A_15 = vector.load %arg2[%get3A_12, %get3A_13, %get3A_14] : memref<2x1000x128xf32, #tpu.memory_space<vmem>>, vector<1x1000x128xf32>
    %get3A_16 = vector.shape_cast %get3A_15 : vector<1x1000x128xf32> to vector<1000x128xf32>
    %get3A_17 = arith.constant 1 : index
    %get3A_18 = arith.constant 0 : index
    %get3A_19 = arith.constant 0 : index
    %get3A_20 = vector.load %arg2[%get3A_17, %get3A_18, %get3A_19] : memref<2x1000x128xf32, #tpu.memory_space<vmem>>, vector<1x1000x128xf32>
    %get3A_21 = vector.shape_cast %get3A_20 : vector<1x1000x128xf32> to vector<1000x128xf32>
    %add3A_22 = arith.addf %get3A_16, %get3A_21 : vector<1000x128xf32>
    %get3A_23 = arith.constant 0 : index
    %get3A_24 = arith.constant 0 : index
    %get3A_25 = vector.load %arg3[%get3A_23, %get3A_24] : memref<1000x128xf32, #tpu.memory_space<vmem>>, vector<1000x128xf32>
    %add3A_26 = arith.addf %add3A_22, %get3A_25 : vector<1000x128xf32>
    %mul3A = vector.broadcast %rsqrt3A : vector<1000x1xf32> to vector<1000x128xf32>
    %mul3A_27 = arith.mulf %add3A_26, %mul3A : vector<1000x128xf32>
    %get3A_28 = arith.constant 0 : index
    %get3A_29 = arith.constant 0 : index
    %get3A_30 = vector.load %arg4[%get3A_28, %get3A_29] : memref<1x128xf32, #tpu.memory_space<vmem>>, vector<1x128xf32>
    %add3A_31 = vector.broadcast %get3A_30 : vector<1x128xf32> to vector<1000x128xf32>
    %add3A_32 = arith.addf %mul3A_27, %add3A_31 : vector<1000x128xf32>
    %swap3A = arith.constant 0 : index
    %swap3A_33 = arith.constant 0 : index
    %swap3A_34 = vector.load %arg5[%swap3A, %swap3A_33] : memref<1000x128xf32, #tpu.memory_space<vmem>>, vector<1000x128xf32>
    tpu.vector_store %arg5[%swap3A, %swap3A_33], %add3A_32 {strides = array<i32>} : memref<1000x128xf32, #tpu.memory_space<vmem>>, vector<1000x128xf32>,
    return
  }
  func.func @transform_0(%arg0: i32) -> (i32, i32, i32) {
    %c0_i32 = arith.constant 0 : i32
    %c0_i32_0 = arith.constant 0 : i32
    %c0_i32_1 = arith.constant 0 : i32
    return %c0_i32, %arg0, %c0_i32_0 : i32, i32, i32
  }
  func.func @transform_1(%arg0: i32) -> (i32, i32, i32) {
    %c0_i32 = arith.constant 0 : i32
    %c0_i32_0 = arith.constant 0 : i32
    %c0_i32_1 = arith.constant 0 : i32
    return %c0_i32, %arg0, %c0_i32_0 : i32, i32, i32
  }
  func.func @transform_2(%arg0: i32) -> (i32, i32) {
    %c0_i32 = arith.constant 0 : i32
    %c0_i32_0 = arith.constant 0 : i32
    return %arg0, %c0_i32 : i32, i32
  }
  func.func @transform_3(%arg0: i32) -> (i32, i32) {
    %c0_i32 = arith.constant 0 : i32
    %c0_i32_0 = arith.constant 0 : i32
    %c0_i32_1 = arith.constant 0 : i32
    return %c0_i32, %c0_i32_0 : i32, i32
  }
  func.func @transform_4(%arg0: i32) -> (i32, i32) {
    %c0_i32 = arith.constant 0 : i32
    %c0_i32_0 = arith.constant 0 : i32
    return %arg0, %c0_i32 : i32, i32
  }
}

</mosaic_0001>

<sc_bundles>
// kernel: kernel.12.cloned.1.call-start
scs
__scs_entry_jumppad:
0x0: {  	(pc) =	sbr.rel $0x88, $3  }
0x1: {  	(tag) =	ssettag $0x0;
	lr =	simm.s32 $0x1  }
0x2: {  	[smem:$0x3F9B] =	sst lr;
	_ =	strace $0xD0000000  }
0x3: {  	_ = 	snop  }
0x4: {  	_ = 	snop  }
0x5: {  	_ = 	snop  }
0x6: {  	_ = 	snop  }
0x7: {  	_ = 	snop  }
__scs_overlays_trampoline_lowered:
0x8: {  	[smem:$0x3FAA] =	sst s0  }
0x9: {  	[smem:$0x3FAB] =	sst s1  }
0xa: {  	[smem:$0x3FAC] =	sst s2  }
0xb: {  	[smem:$0x3FAD] =	sst s3  }
0xc: {  	[smem:$0x3FAE] =	sst s4  }
0xd: {  	[smem:$0x3FAF] =	sst s5  }
0xe: {  	[smem:$0x3FB0] =	sst s6  }
0xf: {  	[smem:$0x3FB1] =	sst s7  }
0x10: {  	[smem:$0x3FB2] =	sst s8  }
0x11: {  	[smem:$0x3FB3] =	sst s9;
	s0 =	simm.s32 @!p0 $0x0  }
0x12: {  	s1 =	sld [smem:$0x3F99];
	s0 =	simm.s32 @p0 $0x1  }
0x13: {  	[smem:$0x3FB4] =	sst s0;
	s0 =	simm.s32 @!p1 $0x0  }
0x14: {  	s2 =	sld [smem:$0x3F98];
	s0 =	simm.s32 @p1 $0x1  }
0x15: {  	[smem:$0x3FB5] =	sst s0;
	s0 =	simm.s32 @!p2 $0x0  }
0x16: {  	s3 =	sld [smem:$0x3FDB];
	s0 =	simm.s32 @p2 $0x1  }
0x17: {  	s4 =	simm.s32 $0x1BF5;
	[smem:$0x3FB7] =	sst s0  }
0x18: {  	s0 =	sld [smem:$0x3F9A];
	_ =	swait.ge [sflag:s4], $0x0  }
0x19: {  	s7 =	sld [smem:$0x3F9B]  }
0x1a: {  	s8 =	sadd.s32 $0xFFFFE003, lr  }
0x1b: {  	s9 =	sadd.s32 $0xFFFFFEF7, lr;
	s5 =	simm.s32 $0xFFFFFFFF;
	p2 =	slt.u32 s8, $0xFFFFF086  }
0x1c: {  	p1 =	slt.u32 s9, $0xF7A;
	s5 =	simm.s32 @!p2 $0x0  }
0x1d: {  	s5 =	simm.s32 @p1 $0x1;
	p0 =	seq.s32 s7, s2  }
0x1e: {  	s7 =	smul.u32 @!p0 $0xF7A, s2;
	p2 =	seq.s32 @!p0 s5, $0x0  }
0x1f: {  	s9 =	smul.u32 $0xF7A, s1;
	s8 =	simm.s32 @!p0 $0x1BF5;
	p2 =	por !p2, p0  }
0x20: {  	[sflag:s8] =	ssyncset.s32 @!p0 $0xFFFFF086;
	s6 =	sadd.s32 @!p0 s3, s7;
	s7 =	simm.s32 @!p0 $0x108  }
0x21: {  	s3 =	sadd.s32 s3, s9;
	s6 =	sadd.s32 @!p0 $0x88, s6;
	s7 =	simm.s32 @p2 $0x1082  }
0x22: {  	[simem:s7], [sflag:s8] =	dma.local @!p0 [hbm:s6], $0xF7A  }
0x23: {  	s9 =	sor.u32 $0xD0000000, s2;
	s6 =	simm.s32 $0x108;
	_ =	swait.ge @!p0 [sflag:s8], $0x0  }
0x24: {  	s3 =	sadd.s32 $0x88, s3;
	s6 =	simm.s32 @!p1 $0x1082;
	[sflag:s4] =	ssyncset.s32 $0xFFFFF086  }
0x25: {  	[simem:s6], [sflag:s4] =	dma.local [hbm:s3], $0xF7A  }
0x26: {  	[smem:$0x3F9B] =	sst s1;
	(tag) =	ssettag s2;
	_ =	strace s9  }
0x27: {  	s1 =	sld [smem:$0x3FAB]  }
0x28: {  	s2 =	sld [smem:$0x3FAC]  }
0x29: {  	s4 =	sld [smem:$0x3FAE]  }
0x2a: {  	p0 =	seq.s32 s5, $0x0;
	s5 =	sld [smem:$0x3FAF]  }
0x2b: {  	s6 =	sld [smem:$0x3FB0]  }
0x2c: {  	s7 =	sld [smem:$0x3FB1]  }
0x2d: {  	s3 =	simm.s32 $0x108;
	s8 =	sld [smem:$0x3FB2]  }
0x2e: {  	s3 =	simm.s32 @!p0 $0x1082;
	s9 =	sld [smem:$0x3FB3]  }
0x2f: {  	lr =	sadd.s32 s0, s3;
	s0 =	sld [smem:$0x3FAA]  }
0x30: {  	s3 =	sld [smem:$0x3FAD]  }
0x31: {  	[smem:$0x3FB6] =	sst s10  }
0x32: {  	s10 =	sld [smem:$0x3FB4];
	_ =	sdelay $0x3  }
0x33: {  	p0 =	seq.s32 s10, $0x1;
	s10 =	sld [smem:$0x3FB6];
	_ =	sdelay $0x3  }
0x34: {  	[smem:$0x3FB6] =	sst s10  }
0x35: {  	s10 =	sld [smem:$0x3FB5];
	_ =	sdelay $0x3  }
0x36: {  	p1 =	seq.s32 s10, $0x1;
	s10 =	sld [smem:$0x3FB6];
	_ =	sdelay $0x3  }
0x37: {  	[smem:$0x3FB6] =	sst s10  }
0x38: {  	s10 =	sld [smem:$0x3FB7]  }
0x39: {  	_ = 	snop;
	(pc) =	sbr.ind lr, $3  }
0x3a: {  	_ = 	snop  }
0x3b: {  	_ = 	snop  }
0x3c: {  	p2 =	seq.s32 s10, $0x1;
	s10 =	sld [smem:$0x3FB6]  }
0x3d: {  	_ =	shalt  }
0x3e: {  	_ =	shalt  }
0x3f: {  	_ =	shalt  }
0x40: {  	_ =	shalt  }
0x41: {  	_ =	shalt  }
0x42: {  	_ =	shalt  }
0x43: {  	_ =	shalt  }
0x44: {  	_ =	shalt  }
0x45: {  	_ =	shalt  }
0x46: {  	_ =	shalt  }
0x47: {  	_ =	shalt  }
0x48: {  	_ =	shalt  }
0x49: {  	_ =	shalt  }
0x4a: {  	_ =	shalt  }
0x4b: {  	_ =	shalt  }
0x4c: {  	_ =	shalt  }
0x4d: {  	_ =	shalt  }
0x4e: {  	_ =	shalt  }
0x4f: {  	_ =	shalt  }
0x50: {  	_ =	shalt  }
0x51: {  	_ =	shalt  }
0x52: {  	_ =	shalt  }
0x53: {  	_ =	shalt  }
0x54: {  	_ =	shalt  }
0x55: {  	_ =	shalt  }
0x56: {  	_ =	shalt  }
0x57: {  	_ =	shalt  }
0x58: {  	_ =	shalt  }
0x59: {  	_ =	shalt  }
0x5a: {  	_ =	shalt  }
0x5b: {  	_ =	shalt  }
0x5c: {  	_ =	shalt  }
0x5d: {  	_ =	shalt  }
0x5e: {  	_ =	shalt  }
0x5f: {  	_ =	shalt  }
0x60: {  	_ =	shalt  }
0x61: {  	_ =	shalt  }
0x62: {  	_ =	shalt  }
0x63: {  	_ =	shalt  }
0x64: {  	_ =	shalt  }
0x65: {  	_ =	shalt  }
0x66: {  	_ =	shalt  }
0x67: {  	_ =	shalt  }
0x68: {  	_ =	shalt  }
0x69: {  	_ =	shalt  }
0x6a: {  	_ =	shalt  }
0x6b: {  	_ =	shalt  }
0x6c: {  	_ =	shalt  }
0x6d: {  	_ =	shalt  }
0x6e: {  	_ =	shalt  }
0x6f: {  	_ =	shalt  }
0x70: {  	_ =	shalt  }
0x71: {  	_ =	shalt  }
0x72: {  	_ =	shalt  }
0x73: {  	_ =	shalt  }
0x74: {  	_ =	shalt  }
0x75: {  	_ =	shalt  }
0x76: {  	_ =	shalt  }
0x77: {  	_ =	shalt  }
0x78: {  	_ =	shalt  }
0x79: {  	_ =	shalt  }
0x7a: {  	_ =	shalt  }
0x7b: {  	_ =	shalt  }
0x7c: {  	_ =	shalt  }
0x7d: {  	_ =	shalt  }
0x7e: {  	_ =	shalt  }
0x7f: {  	_ =	shalt  }
0x80: {  	_ =	shalt  }
0x81: {  	_ =	shalt  }
0x82: {  	_ =	shalt  }
0x83: {  	_ =	shalt  }
0x84: {  	_ =	shalt  }
0x85: {  	_ =	shalt  }
0x86: {  	_ =	shalt  }
0x87: {  	_ =	shalt  }
.Lfunc_end0:
.L_simem_size_0:
called_computation.1_lowered:
.L_overlay_start_0:
0x88: {  	s2 =	sld [smem:$0x3FD9]  }
0x89: {  	s3 =	sld [smem:$0x3FFE];
	_ =	sdelay $0x1  }
0x8a: {  	s1 =	srdreg.scid  }
0x8b: {  	s0 =	sand.u32 $0x1, s1  }
0x8c: {  	s17 =	sshll.u32 s0, $0xA;
	s2 =	sadd.s32 s3, s2  }
0x8d: {  	s2 =	sadd.s32 s2, s17  }
0x8e: {  	[smem:$0x3FC2] =	sst s2  }
0x8f: {  	_ = 	snop  }
0x90: {  	s2 =	sld [smem:$0x3FD0];
	(tm) =	ssettm $0x1  }
0x91: {  	s18 =	sld [smem:$0x3FFB];
	_ =	sdelay $0x3  }
0x92: {  	_ =	strace s18  }
0x93: {  	s3 =	sld [smem:$0x3FFC];
	_ =	sdelay $0x3  }
0x94: {  	_ =	strace s3  }
0x95: {  	s3 =	sld [smem:$0x3FFD];
	_ =	sdelay $0x3  }
0x96: {  	_ =	strace s3  }
0x97: {  	_ =	strace $0x8FFFFFFF  }
0x98: {  	s19 =	sld [smem:$0x3FDB];
	_ =	sdelay $0x1  }
0x99: {  	s4 =	simm.s32 $_scs_section_size  }
0x9a: {  	s5 =	simm.s32 $_size__tile_overlayer_lowered;
	s6 =	simm.s32 $_tile_overlayer_lowered  }
0x9b: {  	s22 =	simm.s32 $0x1BFF;
	s21 =	sshll.u32 s6, $0x1;
	s3 =	sadd.s32 s4, s19  }
0x9c: {  	s7 =	simm.s32 $0x0;
	s20 =	sshll.u32 s5, $0x1;
	s5 =	sadd.s32 s21, s3  }
0x9d: {  	[timem:s7], [sflag:s22] =	dma.local [hbm:s5], s20  }
0x9e: {  	_ =	swait.ge [sflag:s22], s20  }
0x9f: {  	s4 =	ssub.s32 $0x0, s20;
	[sflag:s22] =	ssyncset.done $0x0  }
0xa0: {  	[sflag:s22] =	ssyncadd.s32 s4;
	_ =	sdelay $0x1  }
0xa1: {  	s23 =	simm.s32 $0x1B8B  }
0xa2: {  	_ =	swait.ge [sflag:s23], $0x1  }
0xa3: {  	[sflag:s23] =	ssyncset.done $0x0  }
0xa4: {  	s25 =	simm.s32 $0x1B8E;
	s24 =	sld [smem:$0x3FFE];
	[sflag:s23] =	ssyncadd.s32 $0xFFFFFFFF  }
0xa5: {  	s26 =	simm.s32 $execute0_lowered;
	[smem:$0x3FD2] =	sst s25  }
0xa6: {  	s5 =	sshll.u32 s26, $0x1;
	_ =	strace $0x80000049;
	[dreg:$0x1] =	wrdreg $0xFFFFFFFF  }
0xa7: {  	s28 =	simm.s32 $_size_execute0_lowered;
	s3 =	sadd.s32 s3, s5;
	[dreg:$0x0] =	wrdreg $0x0  }
0xa8: {  	s5 =	sshll.u32 s28, $0x1;
	[dreg:$0x2] =	wrdreg s3  }
0xa9: {  	[dreg:$0x3] =	wrdreg s5  }
0xaa: {  	[dreg:$0x4] =	wrdreg $0xC0  }
0xab: {  	_ =	task [dreg:s7], $0x5FFFF  }
0xac: {  	[dreg:$0x1] =	wrdreg $0xFFFFFFFF  }
0xad: {  	[dreg:$0x0] =	wrdreg $0x60  }
0xae: {  	[dreg:$0x2] =	wrdreg s2  }
0xaf: {  	[dreg:$0x3] =	wrdreg s24  }
0xb0: {  	[dreg:$0x4] =	wrdreg $0x0  }
0xb1: {  	[dreg:$0x5] =	wrdreg $0x9  }
0xb2: {  	_ =	task.clear_ibuf [dreg:s7], $0x6FFFF;
	_ =	strace $0x90000049  }
0xb3: {  	s29 =	simm.s32 $0x9;
	_ =	strace $0x8000004B  }
0xb4: {  	_ =	swait.ge [sflag:s29], $0x1  }
0xb5: {  	[sflag:s29] =	ssyncadd.s32 $0xFFFFFFFF  }
0xb6: {  	_ =	strace $0x9000004B  }
0xb7: {  	_ =	sfence  }
0xb8: {  	s30 =	sld [smem:$0x0];
	_ =	sdelay $0x2  }
0xb9: {  	s31 =	sshll.u32 s1, $0xD;
	s1 =	sshrl.u32 s1, $0x2  }
0xba: {  	s3 =	sand.u32 $0x4000, s31;
	s1 =	sadd.s32 s1, s30  }
0xbb: {  	s0 =	sor.u32 s3, s0;
	s1 =	sshll.u32 s1, $0x11  }
0xbc: {  	s0 =	sor.u32 s1, s0  }
0xbd: {  	s0 =	sadd.s32 $0x8F2B, s0  }
0xbe: {  	[sflag:s0] =	ssyncadd.remote.s32 $0x1  }
0xbf: {  	_ =	sfence.sel $0xFFFF  }
0xc0: {  	[dreg:$0x0] =	wrdreg $0xFFFFFFFF;
	(pc) =	sbr.abs _section_cstart, $3  }
0xc1: {  	[dreg:$0x1] =	wrdreg $0xFFFFFFFF  }
0xc2: {  	_ =	task.clear_ibuf [dreg:s7], $0x2FFFF;
	_ =	strace $0x9FFFFFFF  }
0xc3: {  	(tm) =	ssettm $0x7FFFFFFF  }
tec
execute0_lowered:
.L_overlay_start_1:
0x0: {  	(tag) =	ssettag $0x1  }
0x1: {  	s1 =	rddreg [dreg:$0x0]  }
0x2: {  	s0 =	srdreg.scid;
	s2 =	rddreg [dreg:$0x1]  }
0x3: {  	s7 =	stileid.u32;
	s3 =	rddreg [dreg:$0x2];
	s4 =	simm.s32 $0x0  }
0x4: {  	s13 =	simm.s32 $0x14800;
	s14 =	simm.s32 $0x3;
	s15 =	simm.s32 $0x14000  }
0x5: {  	s16 =	simm.s32 $0x14400;
	s17 =	simm.s32 $0x80;
	s18 =	simm.s32 $0x14080  }
0x6: {  	s19 =	simm.s32 $0x18800;
	s20 =	simm.s32 $0x1;
	s28 =	simm.s32 $0x14580  }
0x7: {  	s29 =	simm.s32 $0x14280;
	s30 =	simm.s32 $0x14600;
	s6 =	smul.u32 $0x2800, s7  }
0x8: {  	s31 =	simm.s32 $0x14300;
	s0 =	sand.u32 $0x1, s0;
	s7 =	smul.u32 $0x50000, s7  }
0x9: {  	[smem:$0x7FF] =	sst s4;
	s5 =	smul.u32 $0x28000, s0;
	s0 =	ssub.s32 $0x2, s0  }
0xa: {  	_ =	strace $0x8000004A;
	s8 =	sshrl.u32 s0, $0x1;
	s21 =	sshrl.u32 s7, $0x2  }
0xb: {  	s7 =	simm.s32 $0x14780;
	s0 =	ssub.s32 s0, s8;
	s11 =	sadd.s32 s21, s3  }
0xc: {  	s5 =	sadd.s32 s6, s5;
	s0 =	smax.u32 s0, $0x1;
	[dreg:$0x5] =	wrdreg s11  }
0xd: {  	s21 =	simm.s32 $0x14100;
	s22 =	sadd.s32 $0x4000, s11;
	[dreg:$0x7] =	wrdreg s0  }
0xe: {  	s8 =	simm.s32 $0x0;
	s23 =	sadd.s32 $0x8000, s11;
	[dreg:$0x8] =	wrdreg s22  }
0xf: {  	s6 =	sshrl.u32 s5, $0x3;
	s25 =	sadd.s32 $0xC000, s11;
	[dreg:$0x9] =	wrdreg s23  }
0x10: {  	s26 =	sadd.s32 $0x10000, s11;
	s6 =	sadd.s32 s6, s2;
	[dreg:$0xa] =	wrdreg s25  }
0x11: {  	s2 =	sadd.s32 s5, s2;
	[dreg:$0xb] =	wrdreg s26;
	s22 =	simm.s32 $0x2  }
0x12: {  	s23 =	simm.s32 $0x14480;
	s25 =	simm.s32 $0x14500;
	s26 =	simm.s32 $0x14200  }
0x13: {  	s0 =	simm.s32 $0x14380;
	s2 =	sadd.s32 $0x16600, s2;
	s24 =	sadd.s32 $0x2600, s6  }
0x14: {  	s12 =	sadd.s32 $0xC600, s6;
	s6 =	simm.s32 $0x14700;
	[dreg:$0x6] =	wrdreg s2  }
0x15: {  	v0 =	vimm.f32 $0.0e+00;
	[dreg:$0x4] =	wrdreg s24;
	s24 =	simm.s32 $0x14180;
	s2 =	simm.s32 $0x14680  }
.LBB2_1:
0x16: {  	s9 =	simm.s32 $0x0;
	s10 =	simm.s32 $0x200  }
.LBB2_2:
0x17: {  	p0 =	sne.s32 s10, $0xFE00;
	[tilespmem:s9+$0x14870] =	vst v0  }
0x18: {  	[tilespmem:s9+$0x14800] =	vst v0  }
0x19: {  	[tilespmem:s9+$0x14810] =	vst v0  }
.Ltmp0:
0x1a: {  	[tilespmem:s9+$0x14820] =	vst v0;
	(pc) =	sbr.rel @p0 .LBB2_2-.Ltmp0, $4  }
0x1b: {  	[tilespmem:s9+$0x14830] =	vst v0  }
0x1c: {  	[tilespmem:s9+$0x14840] =	vst v0  }
0x1d: {  	[tilespmem:s9+$0x14850] =	vst v0  }
0x1e: {  	[tilespmem:s9+$0x14860] =	vst v0;
	s9 =	sshra.s32 s10, $0x2;
	s10 =	sadd.s32 $0x200, s10  }
0x1f: {  	[tilespmem:s9+$0x14870] =	vst v0  }
0x20: {  	[tilespmem:s9+$0x14800] =	vst v0  }
0x21: {  	[tilespmem:s9+$0x14810] =	vst v0  }
0x22: {  	[tilespmem:s9+$0x14820] =	vst v0  }
0x23: {  	[tilespmem:s9+$0x14830] =	vst v0  }
0x24: {  	[tilespmem:s9+$0x14840] =	vst v0  }
0x25: {  	[tilespmem:s9+$0x14850] =	vst v0  }
0x26: {  	[dreg:$0xc] =	wrdreg s8;
	[tilespmem:s9+$0x14860] =	vst v0  }
0x27: {  	[spmem:s11] =	stream.linear.scatter [tilespmem:s13], [sflag:$0x3], $0x4000, $0x38;
	[tilespmem:$0x1C800] =	vst v63  }
0x28: {  	_ =	swait.ge [sflag:s14], $0x4000  }
0x29: {  	[sflag:s14] =	ssyncset.done $0x0  }
0x2a: {  	s5 =	rddreg [dreg:$0x8];
	[sflag:s14] =	ssyncadd.s32 $0xFFFFC000  }
0x2b: {  	[spmem:s5] =	stream.linear.scatter [tilespmem:s13], [sflag:$0x3], $0x4000, $0x38;
	[tilespmem:$0x1C800] =	vst v63  }
0x2c: {  	_ =	swait.ge [sflag:s14], $0x4000  }
0x2d: {  	[sflag:s14] =	ssyncset.done $0x0  }
0x2e: {  	s11 =	rddreg [dreg:$0x9];
	[sflag:s14] =	ssyncadd.s32 $0xFFFFC000  }
0x2f: {  	[spmem:s11] =	stream.linear.scatter [tilespmem:s13], [sflag:$0x3], $0x4000, $0x38;
	[tilespmem:$0x1C800] =	vst v63  }
0x30: {  	_ =	swait.ge [sflag:s14], $0x4000  }
0x31: {  	[sflag:s14] =	ssyncset.done $0x0  }
0x32: {  	s8 =	rddreg [dreg:$0xa];
	[sflag:s14] =	ssyncadd.s32 $0xFFFFC000  }
0x33: {  	[spmem:s8] =	stream.linear.scatter [tilespmem:s13], [sflag:$0x3], $0x4000, $0x38;
	[tilespmem:$0x1C800] =	vst v63  }
0x34: {  	_ =	swait.ge [sflag:s14], $0x4000  }
0x35: {  	[sflag:s14] =	ssyncset.done $0x0  }
0x36: {  	s9 =	rddreg [dreg:$0xb];
	[sflag:s14] =	ssyncadd.s32 $0xFFFFC000  }
0x37: {  	[spmem:s9] =	stream.linear.scatter [tilespmem:s13], [sflag:$0x3], $0x4000, $0x38;
	[tilespmem:$0x1C800] =	vst v63  }
0x38: {  	_ =	swait.ge [sflag:s14], $0x4000  }
0x39: {  	[sflag:s14] =	ssyncset.done $0x0  }
0x3a: {  	[sflag:s14] =	ssyncadd.s32 $0xFFFFC000  }
0x3b: {  	s10 =	sadd.s32 $0x0, s12;
	[bflag:$0x0] =	sbarrier.arrive $0xFFFF  }
0x3c: {  	[tilespmem:s15], [sflag:$0x3] =	stream.linear.gather [hbm4b:s10+s4], $0x400, $0x38;
	[tilespmem:$0x1C800] =	vst v63  }
0x3d: {  	_ =	swait.ge [sflag:s14], $0x400  }
0x3e: {  	s11 =	rddreg [dreg:$0x4];
	[sflag:s14] =	ssyncset.done $0x0  }
0x3f: {  	[sflag:s14] =	ssyncadd.s32 $0xFFFFFC00;
	s9 =	sadd.s32 $0x0, s11  }
0x40: {  	[tilespmem:s16], [sflag:$0x3] =	stream.linear.gather [hbm4b:s9+s4], $0x400, $0x38;
	[tilespmem:$0x1C800] =	vst v63  }
0x41: {  	_ =	swait.ge [sflag:s14], $0x400  }
0x42: {  	[sflag:s14] =	ssyncset.done $0x0  }
0x43: {  	[sflag:s14] =	ssyncadd.s32 $0xFFFFFC00  }
0x44: {  	[tilespmem:s13], [sflag:$0x1] =	stream.indirect.gather [hbm4b:s1+s17], $0x80, s15, s17, $0xb8;
	[tilespmem:$0x1C800] =	vst v63  }
0x45: {  	_ = 	snop  }
0x46: {  	[tilespmem:s19], [sflag:$0x2] =	stream.indirect.gather [hbm4b:s1+s17], $0x80, s18, s17, $0xb8;
	[tilespmem:$0x1C800] =	vst v63  }
0x47: {  	_ =	swait.ge [sflag:s20], $0x4000  }
0x48: {  	[sflag:s20] =	ssyncset.done $0x0  }
0x49: {  	[sflag:s20] =	ssyncadd.s32 $0xFFFFC000  }
0x4a: {  	[spmem:s3] =	stream.indirect.scatter.add.f32 [tilespmem:s13], [sflag:$0x3], $0x80, s16, s17, $0xb8;
	[tilespmem:$0x1C800] =	vst v63  }
0x4b: {  	_ =	swait.ge [sflag:s14], $0x4000  }
0x4c: {  	[sflag:s14] =	ssyncset.done $0x0  }
0x4d: {  	[sflag:s14] =	ssyncadd.s32 $0xFFFFC000  }
0x4e: {  	[tilespmem:s13], [sflag:$0x1] =	stream.indirect.gather [hbm4b:s1+s17], $0x80, s21, s17, $0xb8;
	[tilespmem:$0x1C800] =	vst v63  }
0x4f: {  	_ =	swait.ge [sflag:s22], $0x4000  }
0x50: {  	[sflag:s22] =	ssyncset.done $0x0  }
0x51: {  	[sflag:s22] =	ssyncadd.s32 $0xFFFFC000  }
0x52: {  	[spmem:s3] =	stream.indirect.scatter.add.f32 [tilespmem:s19], [sflag:$0x3], $0x80, s23, s17, $0xb8;
	[tilespmem:$0x1C800] =	vst v63  }
0x53: {  	_ =	swait.ge [sflag:s14], $0x4000  }
0x54: {  	[sflag:s14] =	ssyncset.done $0x0  }
0x55: {  	[sflag:s14] =	ssyncadd.s32 $0xFFFFC000  }
0x56: {  	[tilespmem:s19], [sflag:$0x2] =	stream.indirect.gather [hbm4b:s1+s17], $0x80, s24, s17, $0xb8;
	[tilespmem:$0x1C800] =	vst v63  }
0x57: {  	_ =	swait.ge [sflag:s20], $0x4000  }
0x58: {  	[sflag:s20] =	ssyncset.done $0x0  }
0x59: {  	[sflag:s20] =	ssyncadd.s32 $0xFFFFC000  }
0x5a: {  	[spmem:s3] =	stream.indirect.scatter.add.f32 [tilespmem:s13], [sflag:$0x3], $0x80, s25, s17, $0xb8;
	[tilespmem:$0x1C800] =	vst v63  }
0x5b: {  	_ =	swait.ge [sflag:s14], $0x4000  }
0x5c: {  	[sflag:s14] =	ssyncset.done $0x0  }
0x5d: {  	[sflag:s14] =	ssyncadd.s32 $0xFFFFC000  }
0x5e: {  	[tilespmem:s13], [sflag:$0x1] =	stream.indirect.gather [hbm4b:s1+s17], $0x80, s26, s17, $0xb8;
	[tilespmem:$0x1C800] =	vst v63  }
0x5f: {  	_ =	swait.ge [sflag:s22], $0x4000  }
0x60: {  	[sflag:s22] =	ssyncset.done $0x0  }
0x61: {  	[sflag:s22] =	ssyncadd.s32 $0xFFFFC000  }
0x62: {  	[spmem:s3] =	stream.indirect.scatter.add.f32 [tilespmem:s19], [sflag:$0x3], $0x80, s28, s17, $0xb8;
	[tilespmem:$0x1C800] =	vst v63  }
0x63: {  	_ =	swait.ge [sflag:s14], $0x4000  }
0x64: {  	[sflag:s14] =	ssyncset.done $0x0  }
0x65: {  	[sflag:s14] =	ssyncadd.s32 $0xFFFFC000  }
0x66: {  	[tilespmem:s19], [sflag:$0x2] =	stream.indirect.gather [hbm4b:s1+s17], $0x80, s29, s17, $0xb8;
	[tilespmem:$0x1C800] =	vst v63  }
0x67: {  	_ =	swait.ge [sflag:s20], $0x4000  }
0x68: {  	[sflag:s20] =	ssyncset.done $0x0  }
0x69: {  	[sflag:s20] =	ssyncadd.s32 $0xFFFFC000  }
0x6a: {  	[spmem:s3] =	stream.indirect.scatter.add.f32 [tilespmem:s13], [sflag:$0x3], $0x80, s30, s17, $0xb8;
	[tilespmem:$0x1C800] =	vst v63  }
0x6b: {  	_ =	swait.ge [sflag:s14], $0x4000  }
0x6c: {  	[sflag:s14] =	ssyncset.done $0x0  }
0x6d: {  	[sflag:s14] =	ssyncadd.s32 $0xFFFFC000  }
0x6e: {  	[tilespmem:s13], [sflag:$0x1] =	stream.indirect.gather [hbm4b:s1+s17], $0x80, s31, s17, $0xb8;
	[tilespmem:$0x1C800] =	vst v63  }
0x6f: {  	_ =	swait.ge [sflag:s22], $0x4000  }
0x70: {  	[sflag:s22] =	ssyncset.done $0x0  }
0x71: {  	[sflag:s22] =	ssyncadd.s32 $0xFFFFC000  }
0x72: {  	[spmem:s3] =	stream.indirect.scatter.add.f32 [tilespmem:s19], [sflag:$0x3], $0x80, s2, s17, $0xb8;
	[tilespmem:$0x1C800] =	vst v63  }
0x73: {  	_ =	swait.ge [sflag:s14], $0x4000  }
0x74: {  	[sflag:s14] =	ssyncset.done $0x0  }
0x75: {  	[sflag:s14] =	ssyncadd.s32 $0xFFFFC000  }
0x76: {  	[tilespmem:s19], [sflag:$0x2] =	stream.indirect.gather [hbm4b:s1+s17], $0x80, s0, s17, $0xb8;
	[tilespmem:$0x1C800] =	vst v63  }
0x77: {  	_ =	swait.ge [sflag:s20], $0x4000  }
0x78: {  	[sflag:s20] =	ssyncset.done $0x0  }
0x79: {  	[sflag:s20] =	ssyncadd.s32 $0xFFFFC000  }
0x7a: {  	[spmem:s3] =	stream.indirect.scatter.add.f32 [tilespmem:s13], [sflag:$0x3], $0x80, s6, s17, $0xb8;
	[tilespmem:$0x1C800] =	vst v63  }
0x7b: {  	_ =	swait.ge [sflag:s14], $0x4000  }
0x7c: {  	[sflag:s14] =	ssyncset.done $0x0  }
0x7d: {  	[sflag:s14] =	ssyncadd.s32 $0xFFFFC000  }
0x7e: {  	_ =	swait.ge [sflag:s22], $0x4000  }
0x7f: {  	[sflag:s22] =	ssyncset.done $0x0  }
0x80: {  	[sflag:s22] =	ssyncadd.s32 $0xFFFFC000  }
0x81: {  	[spmem:s3] =	stream.indirect.scatter.add.f32 [tilespmem:s19], [sflag:$0x3], $0x80, s7, s17, $0xb8;
	[tilespmem:$0x1C800] =	vst v63  }
0x82: {  	_ =	swait.ge [sflag:s14], $0x4000  }
0x83: {  	s10 =	simm.s32 $0x100;
	s9 =	simm.s32 $0x80;
	[sflag:s14] =	ssyncset.done $0x0  }
.LBB2_4:
0x84: {  	s5 =	sadd.s32 s9, s12;
	[sflag:s14] =	ssyncadd.s32 $0xFFFFC000  }
0x85: {  	[tilespmem:s15], [sflag:$0x3] =	stream.linear.gather [hbm4b:s5+s4], $0x400, $0x38;
	[tilespmem:$0x1C800] =	vst v63  }
0x86: {  	s8 =	smov.u32 s10;
	s11 =	sadd.s32 $0x80, s10;
	_ =	swait.ge [sflag:s14], $0x400  }
0x87: {  	p0 =	sne.s32 s10, $0x480;
	s10 =	rddreg [dreg:$0x4];
	[sflag:s14] =	ssyncset.done $0x0  }
0x88: {  	[sflag:s14] =	ssyncadd.s32 $0xFFFFFC00;
	s5 =	sadd.s32 s9, s10  }
0x89: {  	[tilespmem:s16], [sflag:$0x3] =	stream.linear.gather [hbm4b:s5+s4], $0x400, $0x38;
	[tilespmem:$0x1C800] =	vst v63  }
0x8a: {  	_ =	swait.ge [sflag:s14], $0x400  }
0x8b: {  	[sflag:s14] =	ssyncset.done $0x0  }
0x8c: {  	[sflag:s14] =	ssyncadd.s32 $0xFFFFFC00  }
0x8d: {  	[tilespmem:s13], [sflag:$0x1] =	stream.indirect.gather [hbm4b:s1+s17], $0x80, s15, s17, $0xb8;
	[tilespmem:$0x1C800] =	vst v63  }
0x8e: {  	_ = 	snop  }
0x8f: {  	[tilespmem:s19], [sflag:$0x2] =	stream.indirect.gather [hbm4b:s1+s17], $0x80, s18, s17, $0xb8;
	[tilespmem:$0x1C800] =	vst v63  }
0x90: {  	_ =	swait.ge [sflag:s20], $0x4000  }
0x91: {  	[sflag:s20] =	ssyncset.done $0x0  }
0x92: {  	[sflag:s20] =	ssyncadd.s32 $0xFFFFC000  }
0x93: {  	[spmem:s3] =	stream.indirect.scatter.add.f32 [tilespmem:s13], [sflag:$0x3], $0x80, s16, s17, $0xb8;
	[tilespmem:$0x1C800] =	vst v63  }
0x94: {  	_ =	swait.ge [sflag:s14], $0x4000  }
0x95: {  	[sflag:s14] =	ssyncset.done $0x0  }
0x96: {  	[sflag:s14] =	ssyncadd.s32 $0xFFFFC000  }
0x97: {  	[tilespmem:s13], [sflag:$0x1] =	stream.indirect.gather [hbm4b:s1+s17], $0x80, s21, s17, $0xb8;
	[tilespmem:$0x1C800] =	vst v63  }
0x98: {  	_ =	swait.ge [sflag:s22], $0x4000  }
0x99: {  	[sflag:s22] =	ssyncset.done $0x0  }
0x9a: {  	[sflag:s22] =	ssyncadd.s32 $0xFFFFC000  }
0x9b: {  	[spmem:s3] =	stream.indirect.scatter.add.f32 [tilespmem:s19], [sflag:$0x3], $0x80, s23, s17, $0xb8;
	[tilespmem:$0x1C800] =	vst v63  }
0x9c: {  	_ =	swait.ge [sflag:s14], $0x4000  }
0x9d: {  	[sflag:s14] =	ssyncset.done $0x0  }
0x9e: {  	[sflag:s14] =	ssyncadd.s32 $0xFFFFC000  }
0x9f: {  	[tilespmem:s19], [sflag:$0x2] =	stream.indirect.gather [hbm4b:s1+s17], $0x80, s24, s17, $0xb8;
	[tilespmem:$0x1C800] =	vst v63  }
0xa0: {  	_ =	swait.ge [sflag:s20], $0x4000  }
0xa1: {  	[sflag:s20] =	ssyncset.done $0x0  }
0xa2: {  	[sflag:s20] =	ssyncadd.s32 $0xFFFFC000  }
0xa3: {  	[spmem:s3] =	stream.indirect.scatter.add.f32 [tilespmem:s13], [sflag:$0x3], $0x80, s25, s17, $0xb8;
	[tilespmem:$0x1C800] =	vst v63  }
0xa4: {  	_ =	swait.ge [sflag:s14], $0x4000  }
0xa5: {  	[sflag:s14] =	ssyncset.done $0x0  }
0xa6: {  	[sflag:s14] =	ssyncadd.s32 $0xFFFFC000  }
0xa7: {  	[tilespmem:s13], [sflag:$0x1] =	stream.indirect.gather [hbm4b:s1+s17], $0x80, s26, s17, $0xb8;
	[tilespmem:$0x1C800] =	vst v63  }
0xa8: {  	_ =	swait.ge [sflag:s22], $0x4000  }
0xa9: {  	[sflag:s22] =	ssyncset.done $0x0  }
0xaa: {  	[sflag:s22] =	ssyncadd.s32 $0xFFFFC000  }
0xab: {  	[spmem:s3] =	stream.indirect.scatter.add.f32 [tilespmem:s19], [sflag:$0x3], $0x80, s28, s17, $0xb8;
	[tilespmem:$0x1C800] =	vst v63  }
0xac: {  	_ =	swait.ge [sflag:s14], $0x4000  }
0xad: {  	[sflag:s14] =	ssyncset.done $0x0  }
0xae: {  	[sflag:s14] =	ssyncadd.s32 $0xFFFFC000  }
0xaf: {  	[tilespmem:s19], [sflag:$0x2] =	stream.indirect.gather [hbm4b:s1+s17], $0x80, s29, s17, $0xb8;
	[tilespmem:$0x1C800] =	vst v63  }
0xb0: {  	_ =	swait.ge [sflag:s20], $0x4000  }
0xb1: {  	[sflag:s20] =	ssyncset.done $0x0  }
0xb2: {  	[sflag:s20] =	ssyncadd.s32 $0xFFFFC000  }
0xb3: {  	[spmem:s3] =	stream.indirect.scatter.add.f32 [tilespmem:s13], [sflag:$0x3], $0x80, s30, s17, $0xb8;
	[tilespmem:$0x1C800] =	vst v63  }
0xb4: {  	_ =	swait.ge [sflag:s14], $0x4000  }
0xb5: {  	[sflag:s14] =	ssyncset.done $0x0  }
0xb6: {  	[sflag:s14] =	ssyncadd.s32 $0xFFFFC000  }
0xb7: {  	[tilespmem:s13], [sflag:$0x1] =	stream.indirect.gather [hbm4b:s1+s17], $0x80, s31, s17, $0xb8;
	[tilespmem:$0x1C800] =	vst v63  }
0xb8: {  	_ =	swait.ge [sflag:s22], $0x4000  }
0xb9: {  	[sflag:s22] =	ssyncset.done $0x0  }
0xba: {  	[sflag:s22] =	ssyncadd.s32 $0xFFFFC000  }
0xbb: {  	[spmem:s3] =	stream.indirect.scatter.add.f32 [tilespmem:s19], [sflag:$0x3], $0x80, s2, s17, $0xb8;
	[tilespmem:$0x1C800] =	vst v63  }
0xbc: {  	_ =	swait.ge [sflag:s14], $0x4000  }
0xbd: {  	[sflag:s14] =	ssyncset.done $0x0  }
0xbe: {  	[sflag:s14] =	ssyncadd.s32 $0xFFFFC000  }
0xbf: {  	[tilespmem:s19], [sflag:$0x2] =	stream.indirect.gather [hbm4b:s1+s17], $0x80, s0, s17, $0xb8;
	[tilespmem:$0x1C800] =	vst v63  }
0xc0: {  	_ =	swait.ge [sflag:s20], $0x4000  }
0xc1: {  	[sflag:s20] =	ssyncset.done $0x0  }
0xc2: {  	[sflag:s20] =	ssyncadd.s32 $0xFFFFC000  }
0xc3: {  	[spmem:s3] =	stream.indirect.scatter.add.f32 [tilespmem:s13], [sflag:$0x3], $0x80, s6, s17, $0xb8;
	[tilespmem:$0x1C800] =	vst v63  }
0xc4: {  	_ =	swait.ge [sflag:s14], $0x4000  }
0xc5: {  	[sflag:s14] =	ssyncset.done $0x0  }
0xc6: {  	[sflag:s14] =	ssyncadd.s32 $0xFFFFC000  }
0xc7: {  	_ =	swait.ge [sflag:s22], $0x4000  }
.Ltmp1:
0xc8: {  	[sflag:s22] =	ssyncset.done $0x0;
	(pc) =	sbr.rel @p0 .LBB2_4-.Ltmp1, $4  }
0xc9: {  	[sflag:s22] =	ssyncadd.s32 $0xFFFFC000  }
0xca: {  	[spmem:s3] =	stream.indirect.scatter.add.f32 [tilespmem:s19], [sflag:$0x3], $0x80, s7, s17, $0xb8;
	[tilespmem:$0x1C800] =	vst v63  }
0xcb: {  	_ =	swait.ge [sflag:s14], $0x4000  }
0xcc: {  	s9 =	smov.u32 s8;
	s10 =	smov.u32 s11;
	[sflag:s14] =	ssyncset.done $0x0  }
0xcd: {  	s5 =	sadd.s32 s9, s12;
	[sflag:s14] =	ssyncadd.s32 $0xFFFFC000  }
0xce: {  	[tilespmem:s15], [sflag:$0x3] =	stream.linear.gather [hbm4b:s5+s4], $0x400, $0x38;
	[tilespmem:$0x1C800] =	vst v63  }
0xcf: {  	_ =	swait.ge [sflag:s14], $0x400  }
0xd0: {  	s8 =	rddreg [dreg:$0x4];
	[sflag:s14] =	ssyncset.done $0x0  }
0xd1: {  	[sflag:s14] =	ssyncadd.s32 $0xFFFFFC00;
	s5 =	sadd.s32 s9, s8  }
0xd2: {  	[tilespmem:s16], [sflag:$0x3] =	stream.linear.gather [hbm4b:s5+s4], $0x400, $0x38;
	[tilespmem:$0x1C800] =	vst v63  }
0xd3: {  	_ =	swait.ge [sflag:s14], $0x400  }
0xd4: {  	[sflag:s14] =	ssyncset.done $0x0  }
0xd5: {  	[sflag:s14] =	ssyncadd.s32 $0xFFFFFC00  }
0xd6: {  	[tilespmem:s13], [sflag:$0x1] =	stream.indirect.gather [hbm4b:s1+s17], $0x80, s15, s17, $0xb8;
	[tilespmem:$0x1C800] =	vst v63  }
0xd7: {  	_ = 	snop  }
0xd8: {  	[tilespmem:s19], [sflag:$0x2] =	stream.indirect.gather [hbm4b:s1+s17], $0x80, s18, s17, $0xb8;
	[tilespmem:$0x1C800] =	vst v63  }
0xd9: {  	_ =	swait.ge [sflag:s20], $0x4000  }
0xda: {  	[sflag:s20] =	ssyncset.done $0x0  }
0xdb: {  	[sflag:s20] =	ssyncadd.s32 $0xFFFFC000  }
0xdc: {  	[spmem:s3] =	stream.indirect.scatter.add.f32 [tilespmem:s13], [sflag:$0x3], $0x80, s16, s17, $0xb8;
	[tilespmem:$0x1C800] =	vst v63  }
0xdd: {  	_ =	swait.ge [sflag:s14], $0x4000  }
0xde: {  	[sflag:s14] =	ssyncset.done $0x0  }
0xdf: {  	[sflag:s14] =	ssyncadd.s32 $0xFFFFC000  }
0xe0: {  	[tilespmem:s13], [sflag:$0x1] =	stream.indirect.gather [hbm4b:s1+s17], $0x80, s21, s17, $0xb8;
	[tilespmem:$0x1C800] =	vst v63  }
0xe1: {  	_ =	swait.ge [sflag:s22], $0x4000  }
0xe2: {  	[sflag:s22] =	ssyncset.done $0x0  }
0xe3: {  	[sflag:s22] =	ssyncadd.s32 $0xFFFFC000  }
0xe4: {  	[spmem:s3] =	stream.indirect.scatter.add.f32 [tilespmem:s19], [sflag:$0x3], $0x80, s23, s17, $0xb8;
	[tilespmem:$0x1C800] =	vst v63  }
0xe5: {  	_ =	swait.ge [sflag:s14], $0x4000  }
0xe6: {  	[sflag:s14] =	ssyncset.done $0x0  }
0xe7: {  	[sflag:s14] =	ssyncadd.s32 $0xFFFFC000  }
0xe8: {  	[tilespmem:s19], [sflag:$0x2] =	stream.indirect.gather [hbm4b:s1+s17], $0x80, s24, s17, $0xb8;
	[tilespmem:$0x1C800] =	vst v63  }
0xe9: {  	_ =	swait.ge [sflag:s20], $0x4000  }
0xea: {  	[sflag:s20] =	ssyncset.done $0x0  }
0xeb: {  	[sflag:s20] =	ssyncadd.s32 $0xFFFFC000  }
0xec: {  	[spmem:s3] =	stream.indirect.scatter.add.f32 [tilespmem:s13], [sflag:$0x3], $0x80, s25, s17, $0xb8;
	[tilespmem:$0x1C800] =	vst v63  }
0xed: {  	_ =	swait.ge [sflag:s14], $0x4000  }
0xee: {  	[sflag:s14] =	ssyncset.done $0x0  }
0xef: {  	[sflag:s14] =	ssyncadd.s32 $0xFFFFC000  }
0xf0: {  	[tilespmem:s13], [sflag:$0x1] =	stream.indirect.gather [hbm4b:s1+s17], $0x80, s26, s17, $0xb8;
	[tilespmem:$0x1C800] =	vst v63  }
0xf1: {  	_ =	swait.ge [sflag:s22], $0x4000  }
0xf2: {  	[sflag:s22] =	ssyncset.done $0x0  }
0xf3: {  	[sflag:s22] =	ssyncadd.s32 $0xFFFFC000  }
0xf4: {  	[spmem:s3] =	stream.indirect.scatter.add.f32 [tilespmem:s19], [sflag:$0x3], $0x80, s28, s17, $0xb8;
	[tilespmem:$0x1C800] =	vst v63  }
0xf5: {  	_ =	swait.ge [sflag:s14], $0x4000  }
0xf6: {  	[sflag:s14] =	ssyncset.done $0x0  }
0xf7: {  	[sflag:s14] =	ssyncadd.s32 $0xFFFFC000  }
0xf8: {  	[tilespmem:s19], [sflag:$0x2] =	stream.indirect.gather [hbm4b:s1+s17], $0x80, s29, s17, $0xb8;
	[tilespmem:$0x1C800] =	vst v63  }
0xf9: {  	_ =	swait.ge [sflag:s20], $0x4000  }
0xfa: {  	[sflag:s20] =	ssyncset.done $0x0  }
0xfb: {  	[sflag:s20] =	ssyncadd.s32 $0xFFFFC000  }
0xfc: {  	[spmem:s3] =	stream.indirect.scatter.add.f32 [tilespmem:s13], [sflag:$0x3], $0x80, s30, s17, $0xb8;
	[tilespmem:$0x1C800] =	vst v63  }
0xfd: {  	_ =	swait.ge [sflag:s14], $0x4000  }
0xfe: {  	[sflag:s14] =	ssyncset.done $0x0  }
0xff: {  	[sflag:s14] =	ssyncadd.s32 $0xFFFFC000  }
0x100: {  	[tilespmem:s13], [sflag:$0x1] =	stream.indirect.gather [hbm4b:s1+s17], $0x80, s31, s17, $0xb8;
	[tilespmem:$0x1C800] =	vst v63  }
0x101: {  	_ =	swait.ge [sflag:s22], $0x4000  }
0x102: {  	[sflag:s22] =	ssyncset.done $0x0  }
0x103: {  	[sflag:s22] =	ssyncadd.s32 $0xFFFFC000  }
0x104: {  	[spmem:s3] =	stream.indirect.scatter.add.f32 [tilespmem:s19], [sflag:$0x3], $0x80, s2, s17, $0xb8;
	[tilespmem:$0x1C800] =	vst v63  }
0x105: {  	_ =	swait.ge [sflag:s14], $0x4000  }
0x106: {  	[sflag:s14] =	ssyncset.done $0x0  }
0x107: {  	[sflag:s14] =	ssyncadd.s32 $0xFFFFC000  }
0x108: {  	[tilespmem:s19], [sflag:$0x2] =	stream.indirect.gather [hbm4b:s1+s17], $0x80, s0, s17, $0xb8;
	[tilespmem:$0x1C800] =	vst v63  }
0x109: {  	_ =	swait.ge [sflag:s20], $0x4000  }
0x10a: {  	[sflag:s20] =	ssyncset.done $0x0  }
0x10b: {  	[sflag:s20] =	ssyncadd.s32 $0xFFFFC000  }
0x10c: {  	[spmem:s3] =	stream.indirect.scatter.add.f32 [tilespmem:s13], [sflag:$0x3], $0x80, s6, s17, $0xb8;
	[tilespmem:$0x1C800] =	vst v63  }
0x10d: {  	_ =	swait.ge [sflag:s14], $0x4000  }
0x10e: {  	[sflag:s14] =	ssyncset.done $0x0  }
0x10f: {  	[sflag:s14] =	ssyncadd.s32 $0xFFFFC000  }
0x110: {  	_ =	swait.ge [sflag:s22], $0x4000  }
0x111: {  	[sflag:s22] =	ssyncset.done $0x0  }
0x112: {  	[sflag:s22] =	ssyncadd.s32 $0xFFFFC000  }
0x113: {  	[spmem:s3] =	stream.indirect.scatter.add.f32 [tilespmem:s19], [sflag:$0x3], $0x80, s7, s17, $0xb8;
	[tilespmem:$0x1C800] =	vst v63  }
0x114: {  	_ =	swait.ge [sflag:s14], $0x4000  }
0x115: {  	[sflag:s14] =	ssyncset.done $0x0  }
0x116: {  	[sflag:s14] =	ssyncadd.s32 $0xFFFFC000  }
0x117: {  	s9 =	stileid.u32;
	[bflag:$0x0] =	sbarrier.arrive $0xFFFF  }
0x118: {  	s5 =	sshll.u32 s9, $0x6;
	s11 =	rddreg [dreg:$0x5]  }
0x119: {  	s5 =	sor.u32 $0x1C03, s5;
	s10 =	rddreg [dreg:$0x6];
	s8 =	sshrl.u32 s11, $0x3  }
0x11a: {  	[hbm:s10], [sflag:s5] =	dma.local [spmem:s8], $0x2800  }
0x11b: {  	_ =	swait.ge [sflag:s14], $0x2800  }
0x11c: {  	s9 =	rddreg [dreg:$0xc]  }
0x11d: {  	s10 =	rddreg [dreg:$0x7];
	s8 =	sadd.s32 $0x1, s9  }
0x11e: {  	p0 =	sne.s32 s8, s10  }
.Ltmp2:
0x11f: {  	_ = 	snop;
	(pc) =	sbr.rel @p0 .LBB2_1-.Ltmp2, $3  }
0x120: {  	_ =	sdelay $0x1  }
0x121: {  	[sflag:s14] =	ssyncset.done $0x0  }
0x122: {  	[sflag:s14] =	ssyncadd.s32 $0xFFFFD800  }
0x123: {  	_ =	sfence.sel $0x180000  }
0x124: {  	[bflag:$0x0] =	sbarrier.arrive $0xFFFF  }
0x125: {  	_ =	strace $0x9000004A  }
0x126: {  	s0 =	stileid.u32;
	[bflag:$0x2] =	sbarrier.arrive $0xFFFF  }
0x127: {  	p0 =	sne.s32 s0, $0x0;
	s0 =	rddreg [dreg:$0x3]  }
0x128: {  	s0 =	sadd.s32 @!p0 $0x100000, s0  }
0x129: {  	[sflag:s0] =	ssyncadd.tile.s32 @!p0 $0x1;
	_ =	shalt  }
.Lfunc_end2:
_tile_overlayer_lowered:
.L_overlay_start_2:
0x12a: {  	(tag) =	ssettag $0x2  }
0x12b: {  	s0 =	rddreg [dreg:$0x0];
	s2 =	stileid.u32  }
0x12c: {  	s1 =	rddreg [dreg:$0x1];
	p0 =	sne.s32 s2, $0x0  }
0x12d: {  	s3 =	rddreg [dreg:$0x2];
	[bflag:$0x3] =	sbarrier.arrive $0xFFFF;
	s2 =	simm.s32 @!p0 $0x1C03  }
0x12e: {  	[timem:s3], [sflag:s2] =	dma.local @!p0 [hbm:s0], s1  }
0x12f: {  	s0 =	simm.s32 @!p0 $0x3  }
0x130: {  	_ =	swait.ge @!p0 [sflag:s0], s1  }
0x131: {  	s1 =	ssub.s32 @!p0 $0x0, s1;
	[sflag:s0] =	ssyncset.done @!p0 $0x0  }
0x132: {  	[sflag:s0] =	ssyncadd.s32 @!p0 s1  }
0x133: {  	[bflag:$0x3] =	sbarrier.arrive $0xFFFF  }
0x134: {  	_ =	shalt  }

// kernel: kernel.15.cloned.1.call-start
scs
__scs_entry_jumppad:
0x0: {  	(pc) =	sbr.rel $0x88, $3  }
0x1: {  	(tag) =	ssettag $0x0;
	lr =	simm.s32 $0x1  }
0x2: {  	[smem:$0x3F9B] =	sst lr;
	_ =	strace $0xD0000000  }
0x3: {  	_ = 	snop  }
0x4: {  	_ = 	snop  }
0x5: {  	_ = 	snop  }
0x6: {  	_ = 	snop  }
0x7: {  	_ = 	snop  }
__scs_overlays_trampoline_lowered:
0x8: {  	[smem:$0x3FAA] =	sst s0  }
0x9: {  	[smem:$0x3FAB] =	sst s1  }
0xa: {  	[smem:$0x3FAC] =	sst s2  }
0xb: {  	[smem:$0x3FAD] =	sst s3  }
0xc: {  	[smem:$0x3FAE] =	sst s4  }
0xd: {  	[smem:$0x3FAF] =	sst s5  }
0xe: {  	[smem:$0x3FB0] =	sst s6  }
0xf: {  	[smem:$0x3FB1] =	sst s7  }
0x10: {  	[smem:$0x3FB2] =	sst s8  }
0x11: {  	[smem:$0x3FB3] =	sst s9;
	s0 =	simm.s32 @!p0 $0x0  }
0x12: {  	s1 =	sld [smem:$0x3F99];
	s0 =	simm.s32 @p0 $0x1  }
0x13: {  	[smem:$0x3FB4] =	sst s0;
	s0 =	simm.s32 @!p1 $0x0  }
0x14: {  	s2 =	sld [smem:$0x3F98];
	s0 =	simm.s32 @p1 $0x1  }
0x15: {  	[smem:$0x3FB5] =	sst s0;
	s0 =	simm.s32 @!p2 $0x0  }
0x16: {  	s3 =	sld [smem:$0x3FDB];
	s0 =	simm.s32 @p2 $0x1  }
0x17: {  	s4 =	simm.s32 $0x1BF5;
	[smem:$0x3FB7] =	sst s0  }
0x18: {  	s0 =	sld [smem:$0x3F9A];
	_ =	swait.ge [sflag:s4], $0x0  }
0x19: {  	s7 =	sld [smem:$0x3F9B]  }
0x1a: {  	s8 =	sadd.s32 $0xFFFFE003, lr  }
0x1b: {  	s9 =	sadd.s32 $0xFFFFFEF7, lr;
	s5 =	simm.s32 $0xFFFFFFFF;
	p2 =	slt.u32 s8, $0xFFFFF086  }
0x1c: {  	p1 =	slt.u32 s9, $0xF7A;
	s5 =	simm.s32 @!p2 $0x0  }
0x1d: {  	s5 =	simm.s32 @p1 $0x1;
	p0 =	seq.s32 s7, s2  }
0x1e: {  	s7 =	smul.u32 @!p0 $0xF7A, s2;
	p2 =	seq.s32 @!p0 s5, $0x0  }
0x1f: {  	s9 =	smul.u32 $0xF7A, s1;
	s8 =	simm.s32 @!p0 $0x1BF5;
	p2 =	por !p2, p0  }
0x20: {  	[sflag:s8] =	ssyncset.s32 @!p0 $0xFFFFF086;
	s6 =	sadd.s32 @!p0 s3, s7;
	s7 =	simm.s32 @!p0 $0x108  }
0x21: {  	s3 =	sadd.s32 s3, s9;
	s6 =	sadd.s32 @!p0 $0x88, s6;
	s7 =	simm.s32 @p2 $0x1082  }
0x22: {  	[simem:s7], [sflag:s8] =	dma.local @!p0 [hbm:s6], $0xF7A  }
0x23: {  	s9 =	sor.u32 $0xD0000000, s2;
	s6 =	simm.s32 $0x108;
	_ =	swait.ge @!p0 [sflag:s8], $0x0  }
0x24: {  	s3 =	sadd.s32 $0x88, s3;
	s6 =	simm.s32 @!p1 $0x1082;
	[sflag:s4] =	ssyncset.s32 $0xFFFFF086  }
0x25: {  	[simem:s6], [sflag:s4] =	dma.local [hbm:s3], $0xF7A  }
0x26: {  	[smem:$0x3F9B] =	sst s1;
	(tag) =	ssettag s2;
	_ =	strace s9  }
0x27: {  	s1 =	sld [smem:$0x3FAB]  }
0x28: {  	s2 =	sld [smem:$0x3FAC]  }
0x29: {  	s4 =	sld [smem:$0x3FAE]  }
0x2a: {  	p0 =	seq.s32 s5, $0x0;
	s5 =	sld [smem:$0x3FAF]  }
0x2b: {  	s6 =	sld [smem:$0x3FB0]  }
0x2c: {  	s7 =	sld [smem:$0x3FB1]  }
0x2d: {  	s3 =	simm.s32 $0x108;
	s8 =	sld [smem:$0x3FB2]  }
0x2e: {  	s3 =	simm.s32 @!p0 $0x1082;
	s9 =	sld [smem:$0x3FB3]  }
0x2f: {  	lr =	sadd.s32 s0, s3;
	s0 =	sld [smem:$0x3FAA]  }
0x30: {  	s3 =	sld [smem:$0x3FAD]  }
0x31: {  	[smem:$0x3FB6] =	sst s10  }
0x32: {  	s10 =	sld [smem:$0x3FB4];
	_ =	sdelay $0x3  }
0x33: {  	p0 =	seq.s32 s10, $0x1;
	s10 =	sld [smem:$0x3FB6];
	_ =	sdelay $0x3  }
0x34: {  	[smem:$0x3FB6] =	sst s10  }
0x35: {  	s10 =	sld [smem:$0x3FB5];
	_ =	sdelay $0x3  }
0x36: {  	p1 =	seq.s32 s10, $0x1;
	s10 =	sld [smem:$0x3FB6];
	_ =	sdelay $0x3  }
0x37: {  	[smem:$0x3FB6] =	sst s10  }
0x38: {  	s10 =	sld [smem:$0x3FB7]  }
0x39: {  	_ = 	snop;
	(pc) =	sbr.ind lr, $3  }
0x3a: {  	_ = 	snop  }
0x3b: {  	_ = 	snop  }
0x3c: {  	p2 =	seq.s32 s10, $0x1;
	s10 =	sld [smem:$0x3FB6]  }
0x3d: {  	_ =	shalt  }
0x3e: {  	_ =	shalt  }
0x3f: {  	_ =	shalt  }
0x40: {  	_ =	shalt  }
0x41: {  	_ =	shalt  }
0x42: {  	_ =	shalt  }
0x43: {  	_ =	shalt  }
0x44: {  	_ =	shalt  }
0x45: {  	_ =	shalt  }
0x46: {  	_ =	shalt  }
0x47: {  	_ =	shalt  }
0x48: {  	_ =	shalt  }
0x49: {  	_ =	shalt  }
0x4a: {  	_ =	shalt  }
0x4b: {  	_ =	shalt  }
0x4c: {  	_ =	shalt  }
0x4d: {  	_ =	shalt  }
0x4e: {  	_ =	shalt  }
0x4f: {  	_ =	shalt  }
0x50: {  	_ =	shalt  }
0x51: {  	_ =	shalt  }
0x52: {  	_ =	shalt  }
0x53: {  	_ =	shalt  }
0x54: {  	_ =	shalt  }
0x55: {  	_ =	shalt  }
0x56: {  	_ =	shalt  }
0x57: {  	_ =	shalt  }
0x58: {  	_ =	shalt  }
0x59: {  	_ =	shalt  }
0x5a: {  	_ =	shalt  }
0x5b: {  	_ =	shalt  }
0x5c: {  	_ =	shalt  }
0x5d: {  	_ =	shalt  }
0x5e: {  	_ =	shalt  }
0x5f: {  	_ =	shalt  }
0x60: {  	_ =	shalt  }
0x61: {  	_ =	shalt  }
0x62: {  	_ =	shalt  }
0x63: {  	_ =	shalt  }
0x64: {  	_ =	shalt  }
0x65: {  	_ =	shalt  }
0x66: {  	_ =	shalt  }
0x67: {  	_ =	shalt  }
0x68: {  	_ =	shalt  }
0x69: {  	_ =	shalt  }
0x6a: {  	_ =	shalt  }
0x6b: {  	_ =	shalt  }
0x6c: {  	_ =	shalt  }
0x6d: {  	_ =	shalt  }
0x6e: {  	_ =	shalt  }
0x6f: {  	_ =	shalt  }
0x70: {  	_ =	shalt  }
0x71: {  	_ =	shalt  }
0x72: {  	_ =	shalt  }
0x73: {  	_ =	shalt  }
0x74: {  	_ =	shalt  }
0x75: {  	_ =	shalt  }
0x76: {  	_ =	shalt  }
0x77: {  	_ =	shalt  }
0x78: {  	_ =	shalt  }
0x79: {  	_ =	shalt  }
0x7a: {  	_ =	shalt  }
0x7b: {  	_ =	shalt  }
0x7c: {  	_ =	shalt  }
0x7d: {  	_ =	shalt  }
0x7e: {  	_ =	shalt  }
0x7f: {  	_ =	shalt  }
0x80: {  	_ =	shalt  }
0x81: {  	_ =	shalt  }
0x82: {  	_ =	shalt  }
0x83: {  	_ =	shalt  }
0x84: {  	_ =	shalt  }
0x85: {  	_ =	shalt  }
0x86: {  	_ =	shalt  }
0x87: {  	_ =	shalt  }
.Lfunc_end0:
.L_simem_size_0:
called_computation.2_lowered:
.L_overlay_start_0:
0x88: {  	s2 =	sld [smem:$0x3FD9]  }
0x89: {  	s3 =	sld [smem:$0x3FFE];
	_ =	sdelay $0x1  }
0x8a: {  	s1 =	srdreg.scid  }
0x8b: {  	s0 =	sand.u32 $0x1, s1  }
0x8c: {  	s17 =	sshll.u32 s0, $0xA;
	s2 =	sadd.s32 s3, s2  }
0x8d: {  	s2 =	sadd.s32 s2, s17  }
0x8e: {  	[smem:$0x3FC2] =	sst s2  }
0x8f: {  	_ = 	snop  }
0x90: {  	s2 =	sld [smem:$0x3FD0];
	(tm) =	ssettm $0x1  }
0x91: {  	s18 =	sld [smem:$0x3FFB];
	_ =	sdelay $0x3  }
0x92: {  	_ =	strace s18  }
0x93: {  	s3 =	sld [smem:$0x3FFC];
	_ =	sdelay $0x3  }
0x94: {  	_ =	strace s3  }
0x95: {  	s3 =	sld [smem:$0x3FFD];
	_ =	sdelay $0x3  }
0x96: {  	_ =	strace s3  }
0x97: {  	_ =	strace $0x8FFFFFFF  }
0x98: {  	s19 =	sld [smem:$0x3FDB];
	_ =	sdelay $0x1  }
0x99: {  	s4 =	simm.s32 $_scs_section_size  }
0x9a: {  	s5 =	simm.s32 $_size__tile_overlayer_lowered;
	s6 =	simm.s32 $_tile_overlayer_lowered  }
0x9b: {  	s22 =	simm.s32 $0x1BFF;
	s21 =	sshll.u32 s6, $0x1;
	s3 =	sadd.s32 s4, s19  }
0x9c: {  	s7 =	simm.s32 $0x0;
	s20 =	sshll.u32 s5, $0x1;
	s5 =	sadd.s32 s21, s3  }
0x9d: {  	[timem:s7], [sflag:s22] =	dma.local [hbm:s5], s20  }
0x9e: {  	_ =	swait.ge [sflag:s22], s20  }
0x9f: {  	s4 =	ssub.s32 $0x0, s20;
	[sflag:s22] =	ssyncset.done $0x0  }
0xa0: {  	[sflag:s22] =	ssyncadd.s32 s4;
	_ =	sdelay $0x1  }
0xa1: {  	s23 =	simm.s32 $0x1B8B  }
0xa2: {  	_ =	swait.ge [sflag:s23], $0x1  }
0xa3: {  	[sflag:s23] =	ssyncset.done $0x0  }
0xa4: {  	s25 =	simm.s32 $0x1B8E;
	s24 =	sld [smem:$0x3FFE];
	[sflag:s23] =	ssyncadd.s32 $0xFFFFFFFF  }
0xa5: {  	s26 =	simm.s32 $execute0_lowered;
	[smem:$0x3FD2] =	sst s25  }
0xa6: {  	s5 =	sshll.u32 s26, $0x1;
	_ =	strace $0x8000004C;
	[dreg:$0x1] =	wrdreg $0xFFFFFFFF  }
0xa7: {  	s28 =	simm.s32 $_size_execute0_lowered;
	s3 =	sadd.s32 s3, s5;
	[dreg:$0x0] =	wrdreg $0x0  }
0xa8: {  	s5 =	sshll.u32 s28, $0x1;
	[dreg:$0x2] =	wrdreg s3  }
0xa9: {  	[dreg:$0x3] =	wrdreg s5  }
0xaa: {  	[dreg:$0x4] =	wrdreg $0xC0  }
0xab: {  	_ =	task [dreg:s7], $0x5FFFF  }
0xac: {  	[dreg:$0x1] =	wrdreg $0xFFFFFFFF  }
0xad: {  	[dreg:$0x0] =	wrdreg $0x60  }
0xae: {  	[dreg:$0x2] =	wrdreg s2  }
0xaf: {  	[dreg:$0x3] =	wrdreg s24  }
0xb0: {  	[dreg:$0x4] =	wrdreg $0x0  }
0xb1: {  	[dreg:$0x5] =	wrdreg $0x9  }
0xb2: {  	_ =	task.clear_ibuf [dreg:s7], $0x6FFFF;
	_ =	strace $0x9000004C  }
0xb3: {  	s29 =	simm.s32 $0x9;
	_ =	strace $0x8000004E  }
0xb4: {  	_ =	swait.ge [sflag:s29], $0x1  }
0xb5: {  	[sflag:s29] =	ssyncadd.s32 $0xFFFFFFFF  }
0xb6: {  	_ =	strace $0x9000004E  }
0xb7: {  	_ =	sfence  }
0xb8: {  	s30 =	sld [smem:$0x0];
	_ =	sdelay $0x2  }
0xb9: {  	s31 =	sshll.u32 s1, $0xD;
	s1 =	sshrl.u32 s1, $0x2  }
0xba: {  	s3 =	sand.u32 $0x4000, s31;
	s1 =	sadd.s32 s1, s30  }
0xbb: {  	s0 =	sor.u32 s3, s0;
	s1 =	sshll.u32 s1, $0x11  }
0xbc: {  	s0 =	sor.u32 s1, s0  }
0xbd: {  	s0 =	sadd.s32 $0x8F2B, s0  }
0xbe: {  	[sflag:s0] =	ssyncadd.remote.s32 $0x1  }
0xbf: {  	_ =	sfence.sel $0xFFFF  }
0xc0: {  	[dreg:$0x0] =	wrdreg $0xFFFFFFFF;
	(pc) =	sbr.abs _section_cstart, $3  }
0xc1: {  	[dreg:$0x1] =	wrdreg $0xFFFFFFFF  }
0xc2: {  	_ =	task.clear_ibuf [dreg:s7], $0x2FFFF;
	_ =	strace $0x9FFFFFFF  }
0xc3: {  	(tm) =	ssettm $0x7FFFFFFF  }
tec
execute0_lowered:
.L_overlay_start_1:
0x0: {  	(tag) =	ssettag $0x1  }
0x1: {  	s1 =	rddreg [dreg:$0x0]  }
0x2: {  	s0 =	srdreg.scid;
	s2 =	rddreg [dreg:$0x1]  }
0x3: {  	s7 =	stileid.u32;
	s3 =	rddreg [dreg:$0x2];
	s4 =	simm.s32 $0x0  }
0x4: {  	s13 =	simm.s32 $0x14800;
	s14 =	simm.s32 $0x3;
	s15 =	simm.s32 $0x14000  }
0x5: {  	s16 =	simm.s32 $0x14400;
	s17 =	simm.s32 $0x80;
	s18 =	simm.s32 $0x14080  }
0x6: {  	s19 =	simm.s32 $0x18800;
	s20 =	simm.s32 $0x1;
	s28 =	simm.s32 $0x14580  }
0x7: {  	s29 =	simm.s32 $0x14280;
	s30 =	simm.s32 $0x14600;
	s6 =	smul.u32 $0x2800, s7  }
0x8: {  	s31 =	simm.s32 $0x14300;
	s0 =	sand.u32 $0x1, s0;
	s7 =	smul.u32 $0x50000, s7  }
0x9: {  	[smem:$0x7FF] =	sst s4;
	s5 =	smul.u32 $0x28000, s0;
	s0 =	ssub.s32 $0x2, s0  }
0xa: {  	_ =	strace $0x8000004D;
	s8 =	sshrl.u32 s0, $0x1;
	s21 =	sshrl.u32 s7, $0x2  }
0xb: {  	s7 =	simm.s32 $0x14780;
	s0 =	ssub.s32 s0, s8;
	s11 =	sadd.s32 s21, s3  }
0xc: {  	s5 =	sadd.s32 s6, s5;
	s0 =	smax.u32 s0, $0x1;
	[dreg:$0x5] =	wrdreg s11  }
0xd: {  	s21 =	simm.s32 $0x14100;
	s22 =	sadd.s32 $0x4000, s11;
	[dreg:$0x7] =	wrdreg s0  }
0xe: {  	s8 =	simm.s32 $0x0;
	s23 =	sadd.s32 $0x8000, s11;
	[dreg:$0x8] =	wrdreg s22  }
0xf: {  	s6 =	sshrl.u32 s5, $0x3;
	s25 =	sadd.s32 $0xC000, s11;
	[dreg:$0x9] =	wrdreg s23  }
0x10: {  	s26 =	sadd.s32 $0x10000, s11;
	s6 =	sadd.s32 s6, s2;
	[dreg:$0xa] =	wrdreg s25  }
0x11: {  	s2 =	sadd.s32 s5, s2;
	[dreg:$0xb] =	wrdreg s26;
	s22 =	simm.s32 $0x2  }
0x12: {  	s23 =	simm.s32 $0x14480;
	s25 =	simm.s32 $0x14500;
	s26 =	simm.s32 $0x14200  }
0x13: {  	s0 =	simm.s32 $0x14380;
	s2 =	sadd.s32 $0x16600, s2;
	s24 =	sadd.s32 $0x2600, s6  }
0x14: {  	s12 =	sadd.s32 $0xC600, s6;
	s6 =	simm.s32 $0x14700;
	[dreg:$0x6] =	wrdreg s2  }
0x15: {  	v0 =	vimm.f32 $0.0e+00;
	[dreg:$0x4] =	wrdreg s24;
	s24 =	simm.s32 $0x14180;
	s2 =	simm.s32 $0x14680  }
.LBB2_1:
0x16: {  	s9 =	simm.s32 $0x0;
	s10 =	simm.s32 $0x200  }
.LBB2_2:
0x17: {  	p0 =	sne.s32 s10, $0xFE00;
	[tilespmem:s9+$0x14870] =	vst v0  }
0x18: {  	[tilespmem:s9+$0x14800] =	vst v0  }
0x19: {  	[tilespmem:s9+$0x14810] =	vst v0  }
.Ltmp0:
0x1a: {  	[tilespmem:s9+$0x14820] =	vst v0;
	(pc) =	sbr.rel @p0 .LBB2_2-.Ltmp0, $4  }
0x1b: {  	[tilespmem:s9+$0x14830] =	vst v0  }
0x1c: {  	[tilespmem:s9+$0x14840] =	vst v0  }
0x1d: {  	[tilespmem:s9+$0x14850] =	vst v0  }
0x1e: {  	[tilespmem:s9+$0x14860] =	vst v0;
	s9 =	sshra.s32 s10, $0x2;
	s10 =	sadd.s32 $0x200, s10  }
0x1f: {  	[tilespmem:s9+$0x14870] =	vst v0  }
0x20: {  	[tilespmem:s9+$0x14800] =	vst v0  }
0x21: {  	[tilespmem:s9+$0x14810] =	vst v0  }
0x22: {  	[tilespmem:s9+$0x14820] =	vst v0  }
0x23: {  	[tilespmem:s9+$0x14830] =	vst v0  }
0x24: {  	[tilespmem:s9+$0x14840] =	vst v0  }
0x25: {  	[tilespmem:s9+$0x14850] =	vst v0  }
0x26: {  	[dreg:$0xc] =	wrdreg s8;
	[tilespmem:s9+$0x14860] =	vst v0  }
0x27: {  	[spmem:s11] =	stream.linear.scatter [tilespmem:s13], [sflag:$0x3], $0x4000, $0x38;
	[tilespmem:$0x1C800] =	vst v63  }
0x28: {  	_ =	swait.ge [sflag:s14], $0x4000  }
0x29: {  	[sflag:s14] =	ssyncset.done $0x0  }
0x2a: {  	s5 =	rddreg [dreg:$0x8];
	[sflag:s14] =	ssyncadd.s32 $0xFFFFC000  }
0x2b: {  	[spmem:s5] =	stream.linear.scatter [tilespmem:s13], [sflag:$0x3], $0x4000, $0x38;
	[tilespmem:$0x1C800] =	vst v63  }
0x2c: {  	_ =	swait.ge [sflag:s14], $0x4000  }
0x2d: {  	[sflag:s14] =	ssyncset.done $0x0  }
0x2e: {  	s11 =	rddreg [dreg:$0x9];
	[sflag:s14] =	ssyncadd.s32 $0xFFFFC000  }
0x2f: {  	[spmem:s11] =	stream.linear.scatter [tilespmem:s13], [sflag:$0x3], $0x4000, $0x38;
	[tilespmem:$0x1C800] =	vst v63  }
0x30: {  	_ =	swait.ge [sflag:s14], $0x4000  }
0x31: {  	[sflag:s14] =	ssyncset.done $0x0  }
0x32: {  	s8 =	rddreg [dreg:$0xa];
	[sflag:s14] =	ssyncadd.s32 $0xFFFFC000  }
0x33: {  	[spmem:s8] =	stream.linear.scatter [tilespmem:s13], [sflag:$0x3], $0x4000, $0x38;
	[tilespmem:$0x1C800] =	vst v63  }
0x34: {  	_ =	swait.ge [sflag:s14], $0x4000  }
0x35: {  	[sflag:s14] =	ssyncset.done $0x0  }
0x36: {  	s9 =	rddreg [dreg:$0xb];
	[sflag:s14] =	ssyncadd.s32 $0xFFFFC000  }
0x37: {  	[spmem:s9] =	stream.linear.scatter [tilespmem:s13], [sflag:$0x3], $0x4000, $0x38;
	[tilespmem:$0x1C800] =	vst v63  }
0x38: {  	_ =	swait.ge [sflag:s14], $0x4000  }
0x39: {  	[sflag:s14] =	ssyncset.done $0x0  }
0x3a: {  	[sflag:s14] =	ssyncadd.s32 $0xFFFFC000  }
0x3b: {  	s10 =	sadd.s32 $0x0, s12;
	[bflag:$0x0] =	sbarrier.arrive $0xFFFF  }
0x3c: {  	[tilespmem:s15], [sflag:$0x3] =	stream.linear.gather [hbm4b:s10+s4], $0x400, $0x38;
	[tilespmem:$0x1C800] =	vst v63  }
0x3d: {  	_ =	swait.ge [sflag:s14], $0x400  }
0x3e: {  	s11 =	rddreg [dreg:$0x4];
	[sflag:s14] =	ssyncset.done $0x0  }
0x3f: {  	[sflag:s14] =	ssyncadd.s32 $0xFFFFFC00;
	s9 =	sadd.s32 $0x0, s11  }
0x40: {  	[tilespmem:s16], [sflag:$0x3] =	stream.linear.gather [hbm4b:s9+s4], $0x400, $0x38;
	[tilespmem:$0x1C800] =	vst v63  }
0x41: {  	_ =	swait.ge [sflag:s14], $0x400  }
0x42: {  	[sflag:s14] =	ssyncset.done $0x0  }
0x43: {  	[sflag:s14] =	ssyncadd.s32 $0xFFFFFC00  }
0x44: {  	[tilespmem:s13], [sflag:$0x1] =	stream.indirect.gather [hbm4b:s1+s17], $0x80, s15, s17, $0xb8;
	[tilespmem:$0x1C800] =	vst v63  }
0x45: {  	_ = 	snop  }
0x46: {  	[tilespmem:s19], [sflag:$0x2] =	stream.indirect.gather [hbm4b:s1+s17], $0x80, s18, s17, $0xb8;
	[tilespmem:$0x1C800] =	vst v63  }
0x47: {  	_ =	swait.ge [sflag:s20], $0x4000  }
0x48: {  	[sflag:s20] =	ssyncset.done $0x0  }
0x49: {  	[sflag:s20] =	ssyncadd.s32 $0xFFFFC000  }
0x4a: {  	[spmem:s3] =	stream.indirect.scatter.add.f32 [tilespmem:s13], [sflag:$0x3], $0x80, s16, s17, $0xb8;
	[tilespmem:$0x1C800] =	vst v63  }
0x4b: {  	_ =	swait.ge [sflag:s14], $0x4000  }
0x4c: {  	[sflag:s14] =	ssyncset.done $0x0  }
0x4d: {  	[sflag:s14] =	ssyncadd.s32 $0xFFFFC000  }
0x4e: {  	[tilespmem:s13], [sflag:$0x1] =	stream.indirect.gather [hbm4b:s1+s17], $0x80, s21, s17, $0xb8;
	[tilespmem:$0x1C800] =	vst v63  }
0x4f: {  	_ =	swait.ge [sflag:s22], $0x4000  }
0x50: {  	[sflag:s22] =	ssyncset.done $0x0  }
0x51: {  	[sflag:s22] =	ssyncadd.s32 $0xFFFFC000  }
0x52: {  	[spmem:s3] =	stream.indirect.scatter.add.f32 [tilespmem:s19], [sflag:$0x3], $0x80, s23, s17, $0xb8;
	[tilespmem:$0x1C800] =	vst v63  }
0x53: {  	_ =	swait.ge [sflag:s14], $0x4000  }
0x54: {  	[sflag:s14] =	ssyncset.done $0x0  }
0x55: {  	[sflag:s14] =	ssyncadd.s32 $0xFFFFC000  }
0x56: {  	[tilespmem:s19], [sflag:$0x2] =	stream.indirect.gather [hbm4b:s1+s17], $0x80, s24, s17, $0xb8;
	[tilespmem:$0x1C800] =	vst v63  }
0x57: {  	_ =	swait.ge [sflag:s20], $0x4000  }
0x58: {  	[sflag:s20] =	ssyncset.done $0x0  }
0x59: {  	[sflag:s20] =	ssyncadd.s32 $0xFFFFC000  }
0x5a: {  	[spmem:s3] =	stream.indirect.scatter.add.f32 [tilespmem:s13], [sflag:$0x3], $0x80, s25, s17, $0xb8;
	[tilespmem:$0x1C800] =	vst v63  }
0x5b: {  	_ =	swait.ge [sflag:s14], $0x4000  }
0x5c: {  	[sflag:s14] =	ssyncset.done $0x0  }
0x5d: {  	[sflag:s14] =	ssyncadd.s32 $0xFFFFC000  }
0x5e: {  	[tilespmem:s13], [sflag:$0x1] =	stream.indirect.gather [hbm4b:s1+s17], $0x80, s26, s17, $0xb8;
	[tilespmem:$0x1C800] =	vst v63  }
0x5f: {  	_ =	swait.ge [sflag:s22], $0x4000  }
0x60: {  	[sflag:s22] =	ssyncset.done $0x0  }
0x61: {  	[sflag:s22] =	ssyncadd.s32 $0xFFFFC000  }
0x62: {  	[spmem:s3] =	stream.indirect.scatter.add.f32 [tilespmem:s19], [sflag:$0x3], $0x80, s28, s17, $0xb8;
	[tilespmem:$0x1C800] =	vst v63  }
0x63: {  	_ =	swait.ge [sflag:s14], $0x4000  }
0x64: {  	[sflag:s14] =	ssyncset.done $0x0  }
0x65: {  	[sflag:s14] =	ssyncadd.s32 $0xFFFFC000  }
0x66: {  	[tilespmem:s19], [sflag:$0x2] =	stream.indirect.gather [hbm4b:s1+s17], $0x80, s29, s17, $0xb8;
	[tilespmem:$0x1C800] =	vst v63  }
0x67: {  	_ =	swait.ge [sflag:s20], $0x4000  }
0x68: {  	[sflag:s20] =	ssyncset.done $0x0  }
0x69: {  	[sflag:s20] =	ssyncadd.s32 $0xFFFFC000  }
0x6a: {  	[spmem:s3] =	stream.indirect.scatter.add.f32 [tilespmem:s13], [sflag:$0x3], $0x80, s30, s17, $0xb8;
	[tilespmem:$0x1C800] =	vst v63  }
0x6b: {  	_ =	swait.ge [sflag:s14], $0x4000  }
0x6c: {  	[sflag:s14] =	ssyncset.done $0x0  }
0x6d: {  	[sflag:s14] =	ssyncadd.s32 $0xFFFFC000  }
0x6e: {  	[tilespmem:s13], [sflag:$0x1] =	stream.indirect.gather [hbm4b:s1+s17], $0x80, s31, s17, $0xb8;
	[tilespmem:$0x1C800] =	vst v63  }
0x6f: {  	_ =	swait.ge [sflag:s22], $0x4000  }
0x70: {  	[sflag:s22] =	ssyncset.done $0x0  }
0x71: {  	[sflag:s22] =	ssyncadd.s32 $0xFFFFC000  }
0x72: {  	[spmem:s3] =	stream.indirect.scatter.add.f32 [tilespmem:s19], [sflag:$0x3], $0x80, s2, s17, $0xb8;
	[tilespmem:$0x1C800] =	vst v63  }
0x73: {  	_ =	swait.ge [sflag:s14], $0x4000  }
0x74: {  	[sflag:s14] =	ssyncset.done $0x0  }
0x75: {  	[sflag:s14] =	ssyncadd.s32 $0xFFFFC000  }
0x76: {  	[tilespmem:s19], [sflag:$0x2] =	stream.indirect.gather [hbm4b:s1+s17], $0x80, s0, s17, $0xb8;
	[tilespmem:$0x1C800] =	vst v63  }
0x77: {  	_ =	swait.ge [sflag:s20], $0x4000  }
0x78: {  	[sflag:s20] =	ssyncset.done $0x0  }
0x79: {  	[sflag:s20] =	ssyncadd.s32 $0xFFFFC000  }
0x7a: {  	[spmem:s3] =	stream.indirect.scatter.add.f32 [tilespmem:s13], [sflag:$0x3], $0x80, s6, s17, $0xb8;
	[tilespmem:$0x1C800] =	vst v63  }
0x7b: {  	_ =	swait.ge [sflag:s14], $0x4000  }
0x7c: {  	[sflag:s14] =	ssyncset.done $0x0  }
0x7d: {  	[sflag:s14] =	ssyncadd.s32 $0xFFFFC000  }
0x7e: {  	_ =	swait.ge [sflag:s22], $0x4000  }
0x7f: {  	[sflag:s22] =	ssyncset.done $0x0  }
0x80: {  	[sflag:s22] =	ssyncadd.s32 $0xFFFFC000  }
0x81: {  	[spmem:s3] =	stream.indirect.scatter.add.f32 [tilespmem:s19], [sflag:$0x3], $0x80, s7, s17, $0xb8;
	[tilespmem:$0x1C800] =	vst v63  }
0x82: {  	_ =	swait.ge [sflag:s14], $0x4000  }
0x83: {  	s10 =	simm.s32 $0x100;
	s9 =	simm.s32 $0x80;
	[sflag:s14] =	ssyncset.done $0x0  }
.LBB2_4:
0x84: {  	s5 =	sadd.s32 s9, s12;
	[sflag:s14] =	ssyncadd.s32 $0xFFFFC000  }
0x85: {  	[tilespmem:s15], [sflag:$0x3] =	stream.linear.gather [hbm4b:s5+s4], $0x400, $0x38;
	[tilespmem:$0x1C800] =	vst v63  }
0x86: {  	s8 =	smov.u32 s10;
	s11 =	sadd.s32 $0x80, s10;
	_ =	swait.ge [sflag:s14], $0x400  }
0x87: {  	p0 =	sne.s32 s10, $0x480;
	s10 =	rddreg [dreg:$0x4];
	[sflag:s14] =	ssyncset.done $0x0  }
0x88: {  	[sflag:s14] =	ssyncadd.s32 $0xFFFFFC00;
	s5 =	sadd.s32 s9, s10  }
0x89: {  	[tilespmem:s16], [sflag:$0x3] =	stream.linear.gather [hbm4b:s5+s4], $0x400, $0x38;
	[tilespmem:$0x1C800] =	vst v63  }
0x8a: {  	_ =	swait.ge [sflag:s14], $0x400  }
0x8b: {  	[sflag:s14] =	ssyncset.done $0x0  }
0x8c: {  	[sflag:s14] =	ssyncadd.s32 $0xFFFFFC00  }
0x8d: {  	[tilespmem:s13], [sflag:$0x1] =	stream.indirect.gather [hbm4b:s1+s17], $0x80, s15, s17, $0xb8;
	[tilespmem:$0x1C800] =	vst v63  }
0x8e: {  	_ = 	snop  }
0x8f: {  	[tilespmem:s19], [sflag:$0x2] =	stream.indirect.gather [hbm4b:s1+s17], $0x80, s18, s17, $0xb8;
	[tilespmem:$0x1C800] =	vst v63  }
0x90: {  	_ =	swait.ge [sflag:s20], $0x4000  }
0x91: {  	[sflag:s20] =	ssyncset.done $0x0  }
0x92: {  	[sflag:s20] =	ssyncadd.s32 $0xFFFFC000  }
0x93: {  	[spmem:s3] =	stream.indirect.scatter.add.f32 [tilespmem:s13], [sflag:$0x3], $0x80, s16, s17, $0xb8;
	[tilespmem:$0x1C800] =	vst v63  }
0x94: {  	_ =	swait.ge [sflag:s14], $0x4000  }
0x95: {  	[sflag:s14] =	ssyncset.done $0x0  }
0x96: {  	[sflag:s14] =	ssyncadd.s32 $0xFFFFC000  }
0x97: {  	[tilespmem:s13], [sflag:$0x1] =	stream.indirect.gather [hbm4b:s1+s17], $0x80, s21, s17, $0xb8;
	[tilespmem:$0x1C800] =	vst v63  }
0x98: {  	_ =	swait.ge [sflag:s22], $0x4000  }
0x99: {  	[sflag:s22] =	ssyncset.done $0x0  }
0x9a: {  	[sflag:s22] =	ssyncadd.s32 $0xFFFFC000  }
0x9b: {  	[spmem:s3] =	stream.indirect.scatter.add.f32 [tilespmem:s19], [sflag:$0x3], $0x80, s23, s17, $0xb8;
	[tilespmem:$0x1C800] =	vst v63  }
0x9c: {  	_ =	swait.ge [sflag:s14], $0x4000  }
0x9d: {  	[sflag:s14] =	ssyncset.done $0x0  }
0x9e: {  	[sflag:s14] =	ssyncadd.s32 $0xFFFFC000  }
0x9f: {  	[tilespmem:s19], [sflag:$0x2] =	stream.indirect.gather [hbm4b:s1+s17], $0x80, s24, s17, $0xb8;
	[tilespmem:$0x1C800] =	vst v63  }
0xa0: {  	_ =	swait.ge [sflag:s20], $0x4000  }
0xa1: {  	[sflag:s20] =	ssyncset.done $0x0  }
0xa2: {  	[sflag:s20] =	ssyncadd.s32 $0xFFFFC000  }
0xa3: {  	[spmem:s3] =	stream.indirect.scatter.add.f32 [tilespmem:s13], [sflag:$0x3], $0x80, s25, s17, $0xb8;
	[tilespmem:$0x1C800] =	vst v63  }
0xa4: {  	_ =	swait.ge [sflag:s14], $0x4000  }
0xa5: {  	[sflag:s14] =	ssyncset.done $0x0  }
0xa6: {  	[sflag:s14] =	ssyncadd.s32 $0xFFFFC000  }
0xa7: {  	[tilespmem:s13], [sflag:$0x1] =	stream.indirect.gather [hbm4b:s1+s17], $0x80, s26, s17, $0xb8;
	[tilespmem:$0x1C800] =	vst v63  }
0xa8: {  	_ =	swait.ge [sflag:s22], $0x4000  }
0xa9: {  	[sflag:s22] =	ssyncset.done $0x0  }
0xaa: {  	[sflag:s22] =	ssyncadd.s32 $0xFFFFC000  }
0xab: {  	[spmem:s3] =	stream.indirect.scatter.add.f32 [tilespmem:s19], [sflag:$0x3], $0x80, s28, s17, $0xb8;
	[tilespmem:$0x1C800] =	vst v63  }
0xac: {  	_ =	swait.ge [sflag:s14], $0x4000  }
0xad: {  	[sflag:s14] =	ssyncset.done $0x0  }
0xae: {  	[sflag:s14] =	ssyncadd.s32 $0xFFFFC000  }
0xaf: {  	[tilespmem:s19], [sflag:$0x2] =	stream.indirect.gather [hbm4b:s1+s17], $0x80, s29, s17, $0xb8;
	[tilespmem:$0x1C800] =	vst v63  }
0xb0: {  	_ =	swait.ge [sflag:s20], $0x4000  }
0xb1: {  	[sflag:s20] =	ssyncset.done $0x0  }
0xb2: {  	[sflag:s20] =	ssyncadd.s32 $0xFFFFC000  }
0xb3: {  	[spmem:s3] =	stream.indirect.scatter.add.f32 [tilespmem:s13], [sflag:$0x3], $0x80, s30, s17, $0xb8;
	[tilespmem:$0x1C800] =	vst v63  }
0xb4: {  	_ =	swait.ge [sflag:s14], $0x4000  }
0xb5: {  	[sflag:s14] =	ssyncset.done $0x0  }
0xb6: {  	[sflag:s14] =	ssyncadd.s32 $0xFFFFC000  }
0xb7: {  	[tilespmem:s13], [sflag:$0x1] =	stream.indirect.gather [hbm4b:s1+s17], $0x80, s31, s17, $0xb8;
	[tilespmem:$0x1C800] =	vst v63  }
0xb8: {  	_ =	swait.ge [sflag:s22], $0x4000  }
0xb9: {  	[sflag:s22] =	ssyncset.done $0x0  }
0xba: {  	[sflag:s22] =	ssyncadd.s32 $0xFFFFC000  }
0xbb: {  	[spmem:s3] =	stream.indirect.scatter.add.f32 [tilespmem:s19], [sflag:$0x3], $0x80, s2, s17, $0xb8;
	[tilespmem:$0x1C800] =	vst v63  }
0xbc: {  	_ =	swait.ge [sflag:s14], $0x4000  }
0xbd: {  	[sflag:s14] =	ssyncset.done $0x0  }
0xbe: {  	[sflag:s14] =	ssyncadd.s32 $0xFFFFC000  }
0xbf: {  	[tilespmem:s19], [sflag:$0x2] =	stream.indirect.gather [hbm4b:s1+s17], $0x80, s0, s17, $0xb8;
	[tilespmem:$0x1C800] =	vst v63  }
0xc0: {  	_ =	swait.ge [sflag:s20], $0x4000  }
0xc1: {  	[sflag:s20] =	ssyncset.done $0x0  }
0xc2: {  	[sflag:s20] =	ssyncadd.s32 $0xFFFFC000  }
0xc3: {  	[spmem:s3] =	stream.indirect.scatter.add.f32 [tilespmem:s13], [sflag:$0x3], $0x80, s6, s17, $0xb8;
	[tilespmem:$0x1C800] =	vst v63  }
0xc4: {  	_ =	swait.ge [sflag:s14], $0x4000  }
0xc5: {  	[sflag:s14] =	ssyncset.done $0x0  }
0xc6: {  	[sflag:s14] =	ssyncadd.s32 $0xFFFFC000  }
0xc7: {  	_ =	swait.ge [sflag:s22], $0x4000  }
.Ltmp1:
0xc8: {  	[sflag:s22] =	ssyncset.done $0x0;
	(pc) =	sbr.rel @p0 .LBB2_4-.Ltmp1, $4  }
0xc9: {  	[sflag:s22] =	ssyncadd.s32 $0xFFFFC000  }
0xca: {  	[spmem:s3] =	stream.indirect.scatter.add.f32 [tilespmem:s19], [sflag:$0x3], $0x80, s7, s17, $0xb8;
	[tilespmem:$0x1C800] =	vst v63  }
0xcb: {  	_ =	swait.ge [sflag:s14], $0x4000  }
0xcc: {  	s9 =	smov.u32 s8;
	s10 =	smov.u32 s11;
	[sflag:s14] =	ssyncset.done $0x0  }
0xcd: {  	s5 =	sadd.s32 s9, s12;
	[sflag:s14] =	ssyncadd.s32 $0xFFFFC000  }
0xce: {  	[tilespmem:s15], [sflag:$0x3] =	stream.linear.gather [hbm4b:s5+s4], $0x400, $0x38;
	[tilespmem:$0x1C800] =	vst v63  }
0xcf: {  	_ =	swait.ge [sflag:s14], $0x400  }
0xd0: {  	s8 =	rddreg [dreg:$0x4];
	[sflag:s14] =	ssyncset.done $0x0  }
0xd1: {  	[sflag:s14] =	ssyncadd.s32 $0xFFFFFC00;
	s5 =	sadd.s32 s9, s8  }
0xd2: {  	[tilespmem:s16], [sflag:$0x3] =	stream.linear.gather [hbm4b:s5+s4], $0x400, $0x38;
	[tilespmem:$0x1C800] =	vst v63  }
0xd3: {  	_ =	swait.ge [sflag:s14], $0x400  }
0xd4: {  	[sflag:s14] =	ssyncset.done $0x0  }
0xd5: {  	[sflag:s14] =	ssyncadd.s32 $0xFFFFFC00  }
0xd6: {  	[tilespmem:s13], [sflag:$0x1] =	stream.indirect.gather [hbm4b:s1+s17], $0x80, s15, s17, $0xb8;
	[tilespmem:$0x1C800] =	vst v63  }
0xd7: {  	_ = 	snop  }
0xd8: {  	[tilespmem:s19], [sflag:$0x2] =	stream.indirect.gather [hbm4b:s1+s17], $0x80, s18, s17, $0xb8;
	[tilespmem:$0x1C800] =	vst v63  }
0xd9: {  	_ =	swait.ge [sflag:s20], $0x4000  }
0xda: {  	[sflag:s20] =	ssyncset.done $0x0  }
0xdb: {  	[sflag:s20] =	ssyncadd.s32 $0xFFFFC000  }
0xdc: {  	[spmem:s3] =	stream.indirect.scatter.add.f32 [tilespmem:s13], [sflag:$0x3], $0x80, s16, s17, $0xb8;
	[tilespmem:$0x1C800] =	vst v63  }
0xdd: {  	_ =	swait.ge [sflag:s14], $0x4000  }
0xde: {  	[sflag:s14] =	ssyncset.done $0x0  }
0xdf: {  	[sflag:s14] =	ssyncadd.s32 $0xFFFFC000  }
0xe0: {  	[tilespmem:s13], [sflag:$0x1] =	stream.indirect.gather [hbm4b:s1+s17], $0x80, s21, s17, $0xb8;
	[tilespmem:$0x1C800] =	vst v63  }
0xe1: {  	_ =	swait.ge [sflag:s22], $0x4000  }
0xe2: {  	[sflag:s22] =	ssyncset.done $0x0  }
0xe3: {  	[sflag:s22] =	ssyncadd.s32 $0xFFFFC000  }
0xe4: {  	[spmem:s3] =	stream.indirect.scatter.add.f32 [tilespmem:s19], [sflag:$0x3], $0x80, s23, s17, $0xb8;
	[tilespmem:$0x1C800] =	vst v63  }
0xe5: {  	_ =	swait.ge [sflag:s14], $0x4000  }
0xe6: {  	[sflag:s14] =	ssyncset.done $0x0  }
0xe7: {  	[sflag:s14] =	ssyncadd.s32 $0xFFFFC000  }
0xe8: {  	[tilespmem:s19], [sflag:$0x2] =	stream.indirect.gather [hbm4b:s1+s17], $0x80, s24, s17, $0xb8;
	[tilespmem:$0x1C800] =	vst v63  }
0xe9: {  	_ =	swait.ge [sflag:s20], $0x4000  }
0xea: {  	[sflag:s20] =	ssyncset.done $0x0  }
0xeb: {  	[sflag:s20] =	ssyncadd.s32 $0xFFFFC000  }
0xec: {  	[spmem:s3] =	stream.indirect.scatter.add.f32 [tilespmem:s13], [sflag:$0x3], $0x80, s25, s17, $0xb8;
	[tilespmem:$0x1C800] =	vst v63  }
0xed: {  	_ =	swait.ge [sflag:s14], $0x4000  }
0xee: {  	[sflag:s14] =	ssyncset.done $0x0  }
0xef: {  	[sflag:s14] =	ssyncadd.s32 $0xFFFFC000  }
0xf0: {  	[tilespmem:s13], [sflag:$0x1] =	stream.indirect.gather [hbm4b:s1+s17], $0x80, s26, s17, $0xb8;
	[tilespmem:$0x1C800] =	vst v63  }
0xf1: {  	_ =	swait.ge [sflag:s22], $0x4000  }
0xf2: {  	[sflag:s22] =	ssyncset.done $0x0  }
0xf3: {  	[sflag:s22] =	ssyncadd.s32 $0xFFFFC000  }
0xf4: {  	[spmem:s3] =	stream.indirect.scatter.add.f32 [tilespmem:s19], [sflag:$0x3], $0x80, s28, s17, $0xb8;
	[tilespmem:$0x1C800] =	vst v63  }
0xf5: {  	_ =	swait.ge [sflag:s14], $0x4000  }
0xf6: {  	[sflag:s14] =	ssyncset.done $0x0  }
0xf7: {  	[sflag:s14] =	ssyncadd.s32 $0xFFFFC000  }
0xf8: {  	[tilespmem:s19], [sflag:$0x2] =	stream.indirect.gather [hbm4b:s1+s17], $0x80, s29, s17, $0xb8;
	[tilespmem:$0x1C800] =	vst v63  }
0xf9: {  	_ =	swait.ge [sflag:s20], $0x4000  }
0xfa: {  	[sflag:s20] =	ssyncset.done $0x0  }
0xfb: {  	[sflag:s20] =	ssyncadd.s32 $0xFFFFC000  }
0xfc: {  	[spmem:s3] =	stream.indirect.scatter.add.f32 [tilespmem:s13], [sflag:$0x3], $0x80, s30, s17, $0xb8;
	[tilespmem:$0x1C800] =	vst v63  }
0xfd: {  	_ =	swait.ge [sflag:s14], $0x4000  }
0xfe: {  	[sflag:s14] =	ssyncset.done $0x0  }
0xff: {  	[sflag:s14] =	ssyncadd.s32 $0xFFFFC000  }
0x100: {  	[tilespmem:s13], [sflag:$0x1] =	stream.indirect.gather [hbm4b:s1+s17], $0x80, s31, s17, $0xb8;
	[tilespmem:$0x1C800] =	vst v63  }
0x101: {  	_ =	swait.ge [sflag:s22], $0x4000  }
0x102: {  	[sflag:s22] =	ssyncset.done $0x0  }
0x103: {  	[sflag:s22] =	ssyncadd.s32 $0xFFFFC000  }
0x104: {  	[spmem:s3] =	stream.indirect.scatter.add.f32 [tilespmem:s19], [sflag:$0x3], $0x80, s2, s17, $0xb8;
	[tilespmem:$0x1C800] =	vst v63  }
0x105: {  	_ =	swait.ge [sflag:s14], $0x4000  }
0x106: {  	[sflag:s14] =	ssyncset.done $0x0  }
0x107: {  	[sflag:s14] =	ssyncadd.s32 $0xFFFFC000  }
0x108: {  	[tilespmem:s19], [sflag:$0x2] =	stream.indirect.gather [hbm4b:s1+s17], $0x80, s0, s17, $0xb8;
	[tilespmem:$0x1C800] =	vst v63  }
0x109: {  	_ =	swait.ge [sflag:s20], $0x4000  }
0x10a: {  	[sflag:s20] =	ssyncset.done $0x0  }
0x10b: {  	[sflag:s20] =	ssyncadd.s32 $0xFFFFC000  }
0x10c: {  	[spmem:s3] =	stream.indirect.scatter.add.f32 [tilespmem:s13], [sflag:$0x3], $0x80, s6, s17, $0xb8;
	[tilespmem:$0x1C800] =	vst v63  }
0x10d: {  	_ =	swait.ge [sflag:s14], $0x4000  }
0x10e: {  	[sflag:s14] =	ssyncset.done $0x0  }
0x10f: {  	[sflag:s14] =	ssyncadd.s32 $0xFFFFC000  }
0x110: {  	_ =	swait.ge [sflag:s22], $0x4000  }
0x111: {  	[sflag:s22] =	ssyncset.done $0x0  }
0x112: {  	[sflag:s22] =	ssyncadd.s32 $0xFFFFC000  }
0x113: {  	[spmem:s3] =	stream.indirect.scatter.add.f32 [tilespmem:s19], [sflag:$0x3], $0x80, s7, s17, $0xb8;
	[tilespmem:$0x1C800] =	vst v63  }
0x114: {  	_ =	swait.ge [sflag:s14], $0x4000  }
0x115: {  	[sflag:s14] =	ssyncset.done $0x0  }
0x116: {  	[sflag:s14] =	ssyncadd.s32 $0xFFFFC000  }
0x117: {  	s9 =	stileid.u32;
	[bflag:$0x0] =	sbarrier.arrive $0xFFFF  }
0x118: {  	s5 =	sshll.u32 s9, $0x6;
	s11 =	rddreg [dreg:$0x5]  }
0x119: {  	s5 =	sor.u32 $0x1C03, s5;
	s10 =	rddreg [dreg:$0x6];
	s8 =	sshrl.u32 s11, $0x3  }
0x11a: {  	[hbm:s10], [sflag:s5] =	dma.local [spmem:s8], $0x2800  }
0x11b: {  	_ =	swait.ge [sflag:s14], $0x2800  }
0x11c: {  	s9 =	rddreg [dreg:$0xc]  }
0x11d: {  	s10 =	rddreg [dreg:$0x7];
	s8 =	sadd.s32 $0x1, s9  }
0x11e: {  	p0 =	sne.s32 s8, s10  }
.Ltmp2:
0x11f: {  	_ = 	snop;
	(pc) =	sbr.rel @p0 .LBB2_1-.Ltmp2, $3  }
0x120: {  	_ =	sdelay $0x1  }
0x121: {  	[sflag:s14] =	ssyncset.done $0x0  }
0x122: {  	[sflag:s14] =	ssyncadd.s32 $0xFFFFD800  }
0x123: {  	_ =	sfence.sel $0x180000  }
0x124: {  	[bflag:$0x0] =	sbarrier.arrive $0xFFFF  }
0x125: {  	_ =	strace $0x9000004D  }
0x126: {  	s0 =	stileid.u32;
	[bflag:$0x2] =	sbarrier.arrive $0xFFFF  }
0x127: {  	p0 =	sne.s32 s0, $0x0;
	s0 =	rddreg [dreg:$0x3]  }
0x128: {  	s0 =	sadd.s32 @!p0 $0x100000, s0  }
0x129: {  	[sflag:s0] =	ssyncadd.tile.s32 @!p0 $0x1;
	_ =	shalt  }
.Lfunc_end2:
_tile_overlayer_lowered:
.L_overlay_start_2:
0x12a: {  	(tag) =	ssettag $0x2  }
0x12b: {  	s0 =	rddreg [dreg:$0x0];
	s2 =	stileid.u32  }
0x12c: {  	s1 =	rddreg [dreg:$0x1];
	p0 =	sne.s32 s2, $0x0  }
0x12d: {  	s3 =	rddreg [dreg:$0x2];
	[bflag:$0x3] =	sbarrier.arrive $0xFFFF;
	s2 =	simm.s32 @!p0 $0x1C03  }
0x12e: {  	[timem:s3], [sflag:s2] =	dma.local @!p0 [hbm:s0], s1  }
0x12f: {  	s0 =	simm.s32 @!p0 $0x3  }
0x130: {  	_ =	swait.ge @!p0 [sflag:s0], s1  }
0x131: {  	s1 =	ssub.s32 @!p0 $0x0, s1;
	[sflag:s0] =	ssyncset.done @!p0 $0x0  }
0x132: {  	[sflag:s0] =	ssyncadd.s32 @!p0 s1  }
0x133: {  	[bflag:$0x3] =	sbarrier.arrive $0xFFFF  }
0x134: {  	_ =	shalt  }

// kernel: kernel.9.cloned.1.call-start
scs
__scs_entry_jumppad:
0x0: {  	(pc) =	sbr.rel $0x88, $3  }
0x1: {  	(tag) =	ssettag $0x0;
	lr =	simm.s32 $0x1  }
0x2: {  	[smem:$0x3F9B] =	sst lr;
	_ =	strace $0xD0000000  }
0x3: {  	_ = 	snop  }
0x4: {  	_ = 	snop  }
0x5: {  	_ = 	snop  }
0x6: {  	_ = 	snop  }
0x7: {  	_ = 	snop  }
__scs_overlays_trampoline_lowered:
0x8: {  	[smem:$0x3FAA] =	sst s0  }
0x9: {  	[smem:$0x3FAB] =	sst s1  }
0xa: {  	[smem:$0x3FAC] =	sst s2  }
0xb: {  	[smem:$0x3FAD] =	sst s3  }
0xc: {  	[smem:$0x3FAE] =	sst s4  }
0xd: {  	[smem:$0x3FAF] =	sst s5  }
0xe: {  	[smem:$0x3FB0] =	sst s6  }
0xf: {  	[smem:$0x3FB1] =	sst s7  }
0x10: {  	[smem:$0x3FB2] =	sst s8  }
0x11: {  	[smem:$0x3FB3] =	sst s9;
	s0 =	simm.s32 @!p0 $0x0  }
0x12: {  	s1 =	sld [smem:$0x3F99];
	s0 =	simm.s32 @p0 $0x1  }
0x13: {  	[smem:$0x3FB4] =	sst s0;
	s0 =	simm.s32 @!p1 $0x0  }
0x14: {  	s2 =	sld [smem:$0x3F98];
	s0 =	simm.s32 @p1 $0x1  }
0x15: {  	[smem:$0x3FB5] =	sst s0;
	s0 =	simm.s32 @!p2 $0x0  }
0x16: {  	s3 =	sld [smem:$0x3FDB];
	s0 =	simm.s32 @p2 $0x1  }
0x17: {  	s4 =	simm.s32 $0x1BF5;
	[smem:$0x3FB7] =	sst s0  }
0x18: {  	s0 =	sld [smem:$0x3F9A];
	_ =	swait.ge [sflag:s4], $0x0  }
0x19: {  	s7 =	sld [smem:$0x3F9B]  }
0x1a: {  	s8 =	sadd.s32 $0xFFFFE003, lr  }
0x1b: {  	s9 =	sadd.s32 $0xFFFFFEF7, lr;
	s5 =	simm.s32 $0xFFFFFFFF;
	p2 =	slt.u32 s8, $0xFFFFF086  }
0x1c: {  	p1 =	slt.u32 s9, $0xF7A;
	s5 =	simm.s32 @!p2 $0x0  }
0x1d: {  	s5 =	simm.s32 @p1 $0x1;
	p0 =	seq.s32 s7, s2  }
0x1e: {  	s7 =	smul.u32 @!p0 $0xF7A, s2;
	p2 =	seq.s32 @!p0 s5, $0x0  }
0x1f: {  	s9 =	smul.u32 $0xF7A, s1;
	s8 =	simm.s32 @!p0 $0x1BF5;
	p2 =	por !p2, p0  }
0x20: {  	[sflag:s8] =	ssyncset.s32 @!p0 $0xFFFFF086;
	s6 =	sadd.s32 @!p0 s3, s7;
	s7 =	simm.s32 @!p0 $0x108  }
0x21: {  	s3 =	sadd.s32 s3, s9;
	s6 =	sadd.s32 @!p0 $0x88, s6;
	s7 =	simm.s32 @p2 $0x1082  }
0x22: {  	[simem:s7], [sflag:s8] =	dma.local @!p0 [hbm:s6], $0xF7A  }
0x23: {  	s9 =	sor.u32 $0xD0000000, s2;
	s6 =	simm.s32 $0x108;
	_ =	swait.ge @!p0 [sflag:s8], $0x0  }
0x24: {  	s3 =	sadd.s32 $0x88, s3;
	s6 =	simm.s32 @!p1 $0x1082;
	[sflag:s4] =	ssyncset.s32 $0xFFFFF086  }
0x25: {  	[simem:s6], [sflag:s4] =	dma.local [hbm:s3], $0xF7A  }
0x26: {  	[smem:$0x3F9B] =	sst s1;
	(tag) =	ssettag s2;
	_ =	strace s9  }
0x27: {  	s1 =	sld [smem:$0x3FAB]  }
0x28: {  	s2 =	sld [smem:$0x3FAC]  }
0x29: {  	s4 =	sld [smem:$0x3FAE]  }
0x2a: {  	p0 =	seq.s32 s5, $0x0;
	s5 =	sld [smem:$0x3FAF]  }
0x2b: {  	s6 =	sld [smem:$0x3FB0]  }
0x2c: {  	s7 =	sld [smem:$0x3FB1]  }
0x2d: {  	s3 =	simm.s32 $0x108;
	s8 =	sld [smem:$0x3FB2]  }
0x2e: {  	s3 =	simm.s32 @!p0 $0x1082;
	s9 =	sld [smem:$0x3FB3]  }
0x2f: {  	lr =	sadd.s32 s0, s3;
	s0 =	sld [smem:$0x3FAA]  }
0x30: {  	s3 =	sld [smem:$0x3FAD]  }
0x31: {  	[smem:$0x3FB6] =	sst s10  }
0x32: {  	s10 =	sld [smem:$0x3FB4];
	_ =	sdelay $0x3  }
0x33: {  	p0 =	seq.s32 s10, $0x1;
	s10 =	sld [smem:$0x3FB6];
	_ =	sdelay $0x3  }
0x34: {  	[smem:$0x3FB6] =	sst s10  }
0x35: {  	s10 =	sld [smem:$0x3FB5];
	_ =	sdelay $0x3  }
0x36: {  	p1 =	seq.s32 s10, $0x1;
	s10 =	sld [smem:$0x3FB6];
	_ =	sdelay $0x3  }
0x37: {  	[smem:$0x3FB6] =	sst s10  }
0x38: {  	s10 =	sld [smem:$0x3FB7]  }
0x39: {  	_ = 	snop;
	(pc) =	sbr.ind lr, $3  }
0x3a: {  	_ = 	snop  }
0x3b: {  	_ = 	snop  }
0x3c: {  	p2 =	seq.s32 s10, $0x1;
	s10 =	sld [smem:$0x3FB6]  }
0x3d: {  	_ =	shalt  }
0x3e: {  	_ =	shalt  }
0x3f: {  	_ =	shalt  }
0x40: {  	_ =	shalt  }
0x41: {  	_ =	shalt  }
0x42: {  	_ =	shalt  }
0x43: {  	_ =	shalt  }
0x44: {  	_ =	shalt  }
0x45: {  	_ =	shalt  }
0x46: {  	_ =	shalt  }
0x47: {  	_ =	shalt  }
0x48: {  	_ =	shalt  }
0x49: {  	_ =	shalt  }
0x4a: {  	_ =	shalt  }
0x4b: {  	_ =	shalt  }
0x4c: {  	_ =	shalt  }
0x4d: {  	_ =	shalt  }
0x4e: {  	_ =	shalt  }
0x4f: {  	_ =	shalt  }
0x50: {  	_ =	shalt  }
0x51: {  	_ =	shalt  }
0x52: {  	_ =	shalt  }
0x53: {  	_ =	shalt  }
0x54: {  	_ =	shalt  }
0x55: {  	_ =	shalt  }
0x56: {  	_ =	shalt  }
0x57: {  	_ =	shalt  }
0x58: {  	_ =	shalt  }
0x59: {  	_ =	shalt  }
0x5a: {  	_ =	shalt  }
0x5b: {  	_ =	shalt  }
0x5c: {  	_ =	shalt  }
0x5d: {  	_ =	shalt  }
0x5e: {  	_ =	shalt  }
0x5f: {  	_ =	shalt  }
0x60: {  	_ =	shalt  }
0x61: {  	_ =	shalt  }
0x62: {  	_ =	shalt  }
0x63: {  	_ =	shalt  }
0x64: {  	_ =	shalt  }
0x65: {  	_ =	shalt  }
0x66: {  	_ =	shalt  }
0x67: {  	_ =	shalt  }
0x68: {  	_ =	shalt  }
0x69: {  	_ =	shalt  }
0x6a: {  	_ =	shalt  }
0x6b: {  	_ =	shalt  }
0x6c: {  	_ =	shalt  }
0x6d: {  	_ =	shalt  }
0x6e: {  	_ =	shalt  }
0x6f: {  	_ =	shalt  }
0x70: {  	_ =	shalt  }
0x71: {  	_ =	shalt  }
0x72: {  	_ =	shalt  }
0x73: {  	_ =	shalt  }
0x74: {  	_ =	shalt  }
0x75: {  	_ =	shalt  }
0x76: {  	_ =	shalt  }
0x77: {  	_ =	shalt  }
0x78: {  	_ =	shalt  }
0x79: {  	_ =	shalt  }
0x7a: {  	_ =	shalt  }
0x7b: {  	_ =	shalt  }
0x7c: {  	_ =	shalt  }
0x7d: {  	_ =	shalt  }
0x7e: {  	_ =	shalt  }
0x7f: {  	_ =	shalt  }
0x80: {  	_ =	shalt  }
0x81: {  	_ =	shalt  }
0x82: {  	_ =	shalt  }
0x83: {  	_ =	shalt  }
0x84: {  	_ =	shalt  }
0x85: {  	_ =	shalt  }
0x86: {  	_ =	shalt  }
0x87: {  	_ =	shalt  }
.Lfunc_end0:
.L_simem_size_0:
called_computation_lowered:
.L_overlay_start_0:
0x88: {  	s2 =	sld [smem:$0x3FD9]  }
0x89: {  	s3 =	sld [smem:$0x3FFE];
	_ =	sdelay $0x1  }
0x8a: {  	s1 =	srdreg.scid  }
0x8b: {  	s0 =	sand.u32 $0x1, s1  }
0x8c: {  	s16 =	sshll.u32 s0, $0xA;
	s2 =	sadd.s32 s3, s2  }
0x8d: {  	s2 =	sadd.s32 s2, s16  }
0x8e: {  	[smem:$0x3FC2] =	sst s2  }
0x8f: {  	_ = 	snop  }
0x90: {  	(tm) =	ssettm $0x1  }
0x91: {  	s17 =	sld [smem:$0x3FFB];
	_ =	sdelay $0x3  }
0x92: {  	_ =	strace s17  }
0x93: {  	s2 =	sld [smem:$0x3FFC];
	_ =	sdelay $0x3  }
0x94: {  	_ =	strace s2  }
0x95: {  	s2 =	sld [smem:$0x3FFD];
	_ =	sdelay $0x3  }
0x96: {  	_ =	strace s2  }
0x97: {  	_ =	strace $0x8FFFFFFF  }
0x98: {  	s18 =	sld [smem:$0x3FDB];
	_ =	sdelay $0x1  }
0x99: {  	s19 =	simm.s32 $_scs_section_size  }
0x9a: {  	s4 =	simm.s32 $_size__tile_overlayer_lowered;
	s5 =	simm.s32 $_tile_overlayer_lowered  }
0x9b: {  	s22 =	simm.s32 $0x1BFF;
	s21 =	sshll.u32 s5, $0x1;
	s2 =	sadd.s32 s19, s18  }
0x9c: {  	s6 =	simm.s32 $0x0;
	s20 =	sshll.u32 s4, $0x1;
	s4 =	sadd.s32 s21, s2  }
0x9d: {  	[timem:s6], [sflag:s22] =	dma.local [hbm:s4], s20  }
0x9e: {  	_ =	swait.ge [sflag:s22], s20  }
0x9f: {  	s3 =	ssub.s32 $0x0, s20;
	[sflag:s22] =	ssyncset.done $0x0  }
0xa0: {  	[sflag:s22] =	ssyncadd.s32 s3;
	_ =	sdelay $0x1  }
0xa1: {  	s23 =	simm.s32 $0x1B8B  }
0xa2: {  	_ =	swait.ge [sflag:s23], $0x1  }
0xa3: {  	[sflag:s23] =	ssyncset.done $0x0  }
0xa4: {  	s25 =	simm.s32 $0x1B8E;
	s24 =	sld [smem:$0x3FFE];
	[sflag:s23] =	ssyncadd.s32 $0xFFFFFFFF  }
0xa5: {  	s26 =	simm.s32 $execute0_lowered;
	[smem:$0x3FD2] =	sst s25  }
0xa6: {  	s4 =	sshll.u32 s26, $0x1;
	_ =	strace $0x80000046;
	[dreg:$0x1] =	wrdreg $0xFFFFFFFF  }
0xa7: {  	s28 =	simm.s32 $_size_execute0_lowered;
	s2 =	sadd.s32 s2, s4;
	[dreg:$0x0] =	wrdreg $0x0  }
0xa8: {  	s4 =	sshll.u32 s28, $0x1;
	[dreg:$0x2] =	wrdreg s2  }
0xa9: {  	[dreg:$0x3] =	wrdreg s4  }
0xaa: {  	[dreg:$0x4] =	wrdreg $0xC0  }
0xab: {  	_ =	task [dreg:s6], $0x5FFFF  }
0xac: {  	[dreg:$0x1] =	wrdreg $0xFFFFFFFF  }
0xad: {  	[dreg:$0x0] =	wrdreg $0x60  }
0xae: {  	[dreg:$0x2] =	wrdreg s24  }
0xaf: {  	[dreg:$0x3] =	wrdreg $0x0  }
0xb0: {  	[dreg:$0x4] =	wrdreg $0x9  }
0xb1: {  	_ =	task.clear_ibuf [dreg:s6], $0x5FFFF;
	_ =	strace $0x90000046  }
0xb2: {  	s29 =	simm.s32 $0x9;
	_ =	strace $0x80000048  }
0xb3: {  	_ =	swait.ge [sflag:s29], $0x1  }
0xb4: {  	[sflag:s29] =	ssyncadd.s32 $0xFFFFFFFF  }
0xb5: {  	_ =	strace $0x90000048  }
0xb6: {  	_ =	sfence  }
0xb7: {  	s30 =	sld [smem:$0x0];
	_ =	sdelay $0x2  }
0xb8: {  	s31 =	sshll.u32 s1, $0xD;
	s1 =	sshrl.u32 s1, $0x2  }
0xb9: {  	s3 =	sand.u32 $0x4000, s31;
	s1 =	sadd.s32 s1, s30  }
0xba: {  	s0 =	sor.u32 s3, s0;
	s1 =	sshll.u32 s1, $0x11  }
0xbb: {  	s0 =	sor.u32 s1, s0  }
0xbc: {  	s0 =	sadd.s32 $0x8F2B, s0  }
0xbd: {  	[sflag:s0] =	ssyncadd.remote.s32 $0x1  }
0xbe: {  	_ =	sfence.sel $0xFFFF  }
0xbf: {  	[dreg:$0x0] =	wrdreg $0xFFFFFFFF;
	(pc) =	sbr.abs _section_cstart, $3  }
0xc0: {  	[dreg:$0x1] =	wrdreg $0xFFFFFFFF  }
0xc1: {  	_ =	task.clear_ibuf [dreg:s6], $0x2FFFF;
	_ =	strace $0x9FFFFFFF  }
0xc2: {  	(tm) =	ssettm $0x7FFFFFFF  }
0xc3: {  	_ =	shalt  }
tec
execute0_lowered:
.L_overlay_start_1:
0x0: {  	(tag) =	ssettag $0x1  }
0x1: {  	s6 =	rddreg [dreg:$0x0]  }
0x2: {  	s2 =	rddreg [dreg:$0x1]  }
0x3: {  	s0 =	srdreg.scid;
	s1 =	rddreg [dreg:$0x2]  }
0x4: {  	s3 =	simm.s32 $0x0;
	s12 =	simm.s32 $0x2C00;
	s13 =	simm.s32 $0x1  }
0x5: {  	s14 =	simm.s32 $0x2800;
	s15 =	simm.s32 $0x80;
	s16 =	simm.s32 $0x2880  }
0x6: {  	s17 =	simm.s32 $0x2900;
	s18 =	simm.s32 $0x2980;
	s4 =	sand.u32 $0x1, s0  }
0x7: {  	s19 =	simm.s32 $0x2A00;
	s0 =	stileid.u32;
	s5 =	smul.u32 $0x28000, s4  }
0x8: {  	s20 =	simm.s32 $0x2A80;
	s21 =	simm.s32 $0x2B00;
	s7 =	smul.u32 $0x2800, s0  }
0x9: {  	s22 =	simm.s32 $0x2B80;
	s23 =	simm.s32 $0x0;
	[smem:$0x7FF] =	sst s3  }
0xa: {  	s8 =	smul.u32 $0x50000, s0;
	s4 =	ssub.s32 $0x2, s4;
	s5 =	sadd.s32 s7, s5  }
0xb: {  	_ =	strace $0x80000047;
	s30 =	sshrl.u32 s4, $0x1;
	s7 =	sshrl.u32 s5, $0x3  }
0xc: {  	s31 =	sshrl.u32 s8, $0x2;
	s5 =	sadd.s32 s5, s6;
	s11 =	sadd.s32 s7, s6  }
0xd: {  	s6 =	ssub.s32 s4, s30;
	s4 =	sadd.s32 s31, s2;
	s5 =	sadd.s32 $0x16600, s5  }
0xe: {  	s6 =	smax.u32 s6, $0x1;
	s7 =	sadd.s32 $0x4000, s4;
	s8 =	sadd.s32 $0x8000, s4  }
0xf: {  	v0 =	vimm.f32 $0.0e+00;
	v1 =	vimm.f32 $1.000000000e+00;
	s9 =	sadd.s32 $0xC000, s4;
	s10 =	sadd.s32 $0x10000, s4;
	s11 =	sadd.s32 $0x2600, s11  }
.LBB2_1:
0x10: {  	s24 =	simm.s32 $0x200;
	s25 =	simm.s32 $0x0  }
.LBB2_2:
0x11: {  	p0 =	sne.s32 s24, $0xFE00;
	[tilespmem:s25+$0x2C00] =	vst v0;
	s25 =	smov.u32 s24;
	s24 =	sadd.s32 $0x200, s24  }
.Ltmp0:
0x12: {  	(pc) =	sbr.rel @p0 .LBB2_2-.Ltmp0, $2  }
0x13: {  	_ =	sdelay $0x2  }
0x14: {  	s25 =	sshra.s32 s25, $0x2  }
0x15: {  	[tilespmem:s25+$0x2C00] =	vst v0  }
0x16: {  	[spmem:s4] =	stream.linear.scatter [tilespmem:s12], [sflag:$0x1], $0x4000, $0x38;
	[tilespmem:$0x6C00] =	vst v63  }
0x17: {  	_ =	swait.ge [sflag:s13], $0x4000  }
0x18: {  	[sflag:s13] =	ssyncset.done $0x0  }
0x19: {  	[sflag:s13] =	ssyncadd.s32 $0xFFFFC000  }
0x1a: {  	[spmem:s7] =	stream.linear.scatter [tilespmem:s12], [sflag:$0x1], $0x4000, $0x38;
	[tilespmem:$0x6C00] =	vst v63  }
0x1b: {  	_ =	swait.ge [sflag:s13], $0x4000  }
0x1c: {  	[sflag:s13] =	ssyncset.done $0x0  }
0x1d: {  	[sflag:s13] =	ssyncadd.s32 $0xFFFFC000  }
0x1e: {  	[spmem:s8] =	stream.linear.scatter [tilespmem:s12], [sflag:$0x1], $0x4000, $0x38;
	[tilespmem:$0x6C00] =	vst v63  }
0x1f: {  	_ =	swait.ge [sflag:s13], $0x4000  }
0x20: {  	[sflag:s13] =	ssyncset.done $0x0  }
0x21: {  	[sflag:s13] =	ssyncadd.s32 $0xFFFFC000  }
0x22: {  	[spmem:s9] =	stream.linear.scatter [tilespmem:s12], [sflag:$0x1], $0x4000, $0x38;
	[tilespmem:$0x6C00] =	vst v63  }
0x23: {  	_ =	swait.ge [sflag:s13], $0x4000  }
0x24: {  	[sflag:s13] =	ssyncset.done $0x0  }
0x25: {  	[sflag:s13] =	ssyncadd.s32 $0xFFFFC000  }
0x26: {  	[spmem:s10] =	stream.linear.scatter [tilespmem:s12], [sflag:$0x1], $0x4000, $0x38;
	[tilespmem:$0x6C00] =	vst v63  }
0x27: {  	_ =	swait.ge [sflag:s13], $0x4000  }
0x28: {  	[sflag:s13] =	ssyncset.done $0x0  }
0x29: {  	s24 =	simm.s32 $0x200;
	s25 =	simm.s32 $0x0;
	[sflag:s13] =	ssyncadd.s32 $0xFFFFC000  }
.LBB2_4:
0x2a: {  	p0 =	sne.s32 s24, $0xFE00;
	[tilespmem:s25+$0x2C00] =	vst v1;
	s25 =	smov.u32 s24;
	s24 =	sadd.s32 $0x200, s24  }
.Ltmp1:
0x2b: {  	(pc) =	sbr.rel @p0 .LBB2_4-.Ltmp1, $2  }
0x2c: {  	_ =	sdelay $0x2  }
0x2d: {  	s25 =	sshra.s32 s25, $0x2  }
0x2e: {  	[tilespmem:s25+$0x2C00] =	vst v1  }
0x2f: {  	s24 =	sadd.s32 $0x0, s11;
	[bflag:$0x0] =	sbarrier.arrive $0xFFFF  }
0x30: {  	[tilespmem:s14], [sflag:$0x1] =	stream.linear.gather [hbm4b:s24+s3], $0x400, $0x38;
	[tilespmem:$0x6C00] =	vst v63  }
0x31: {  	_ =	swait.ge [sflag:s13], $0x400  }
0x32: {  	[sflag:s13] =	ssyncset.done $0x0  }
0x33: {  	[sflag:s13] =	ssyncadd.s32 $0xFFFFFC00  }
0x34: {  	[spmem:s2] =	stream.indirect.scatter.add.f32 [tilespmem:s12], [sflag:$0x1], $0x10, s14, s15, $0xb8;
	[tilespmem:$0x6C00] =	vst v63  }
0x35: {  	_ =	swait.ge [sflag:s13], $0x800  }
0x36: {  	[sflag:s13] =	ssyncset.done $0x0  }
0x37: {  	[sflag:s13] =	ssyncadd.s32 $0xFFFFF800  }
0x38: {  	[spmem:s2] =	stream.indirect.scatter.add.f32 [tilespmem:s12], [sflag:$0x1], $0x10, s16, s15, $0xb8;
	[tilespmem:$0x6C00] =	vst v63  }
0x39: {  	_ =	swait.ge [sflag:s13], $0x800  }
0x3a: {  	[sflag:s13] =	ssyncset.done $0x0  }
0x3b: {  	[sflag:s13] =	ssyncadd.s32 $0xFFFFF800  }
0x3c: {  	[spmem:s2] =	stream.indirect.scatter.add.f32 [tilespmem:s12], [sflag:$0x1], $0x10, s17, s15, $0xb8;
	[tilespmem:$0x6C00] =	vst v63  }
0x3d: {  	_ =	swait.ge [sflag:s13], $0x800  }
0x3e: {  	[sflag:s13] =	ssyncset.done $0x0  }
0x3f: {  	[sflag:s13] =	ssyncadd.s32 $0xFFFFF800  }
0x40: {  	[spmem:s2] =	stream.indirect.scatter.add.f32 [tilespmem:s12], [sflag:$0x1], $0x10, s18, s15, $0xb8;
	[tilespmem:$0x6C00] =	vst v63  }
0x41: {  	_ =	swait.ge [sflag:s13], $0x800  }
0x42: {  	[sflag:s13] =	ssyncset.done $0x0  }
0x43: {  	[sflag:s13] =	ssyncadd.s32 $0xFFFFF800  }
0x44: {  	[spmem:s2] =	stream.indirect.scatter.add.f32 [tilespmem:s12], [sflag:$0x1], $0x10, s19, s15, $0xb8;
	[tilespmem:$0x6C00] =	vst v63  }
0x45: {  	_ =	swait.ge [sflag:s13], $0x800  }
0x46: {  	[sflag:s13] =	ssyncset.done $0x0  }
0x47: {  	[sflag:s13] =	ssyncadd.s32 $0xFFFFF800  }
0x48: {  	[spmem:s2] =	stream.indirect.scatter.add.f32 [tilespmem:s12], [sflag:$0x1], $0x10, s20, s15, $0xb8;
	[tilespmem:$0x6C00] =	vst v63  }
0x49: {  	_ =	swait.ge [sflag:s13], $0x800  }
0x4a: {  	[sflag:s13] =	ssyncset.done $0x0  }
0x4b: {  	[sflag:s13] =	ssyncadd.s32 $0xFFFFF800  }
0x4c: {  	[spmem:s2] =	stream.indirect.scatter.add.f32 [tilespmem:s12], [sflag:$0x1], $0x10, s21, s15, $0xb8;
	[tilespmem:$0x6C00] =	vst v63  }
0x4d: {  	_ =	swait.ge [sflag:s13], $0x800  }
0x4e: {  	[sflag:s13] =	ssyncset.done $0x0  }
0x4f: {  	[sflag:s13] =	ssyncadd.s32 $0xFFFFF800  }
0x50: {  	[spmem:s2] =	stream.indirect.scatter.add.f32 [tilespmem:s12], [sflag:$0x1], $0x10, s22, s15, $0xb8;
	[tilespmem:$0x6C00] =	vst v63  }
0x51: {  	_ =	swait.ge [sflag:s13], $0x800  }
0x52: {  	s26 =	simm.s32 $0x100;
	s24 =	simm.s32 $0x80;
	[sflag:s13] =	ssyncset.done $0x0  }
.LBB2_6:
0x53: {  	s28 =	sadd.s32 s24, s11  }
0x54: {  	[sflag:s13] =	ssyncadd.s32 $0xFFFFF800;
	s24 =	smov.u32 s26;
	s25 =	sadd.s32 $0x80, s26  }
0x55: {  	[tilespmem:s14], [sflag:$0x1] =	stream.linear.gather [hbm4b:s28+s3], $0x400, $0x38;
	[tilespmem:$0x6C00] =	vst v63  }
0x56: {  	p0 =	sne.s32 s26, $0x480;
	_ =	swait.ge [sflag:s13], $0x400  }
0x57: {  	[sflag:s13] =	ssyncset.done $0x0  }
0x58: {  	[sflag:s13] =	ssyncadd.s32 $0xFFFFFC00  }
0x59: {  	[spmem:s2] =	stream.indirect.scatter.add.f32 [tilespmem:s12], [sflag:$0x1], $0x10, s14, s15, $0xb8;
	[tilespmem:$0x6C00] =	vst v63  }
0x5a: {  	_ =	swait.ge [sflag:s13], $0x800  }
0x5b: {  	[sflag:s13] =	ssyncset.done $0x0  }
0x5c: {  	[sflag:s13] =	ssyncadd.s32 $0xFFFFF800  }
0x5d: {  	[spmem:s2] =	stream.indirect.scatter.add.f32 [tilespmem:s12], [sflag:$0x1], $0x10, s16, s15, $0xb8;
	[tilespmem:$0x6C00] =	vst v63  }
0x5e: {  	_ =	swait.ge [sflag:s13], $0x800  }
0x5f: {  	[sflag:s13] =	ssyncset.done $0x0  }
0x60: {  	[sflag:s13] =	ssyncadd.s32 $0xFFFFF800  }
0x61: {  	[spmem:s2] =	stream.indirect.scatter.add.f32 [tilespmem:s12], [sflag:$0x1], $0x10, s17, s15, $0xb8;
	[tilespmem:$0x6C00] =	vst v63  }
0x62: {  	_ =	swait.ge [sflag:s13], $0x800  }
0x63: {  	[sflag:s13] =	ssyncset.done $0x0  }
0x64: {  	[sflag:s13] =	ssyncadd.s32 $0xFFFFF800  }
0x65: {  	[spmem:s2] =	stream.indirect.scatter.add.f32 [tilespmem:s12], [sflag:$0x1], $0x10, s18, s15, $0xb8;
	[tilespmem:$0x6C00] =	vst v63  }
0x66: {  	_ =	swait.ge [sflag:s13], $0x800  }
0x67: {  	[sflag:s13] =	ssyncset.done $0x0  }
0x68: {  	[sflag:s13] =	ssyncadd.s32 $0xFFFFF800  }
0x69: {  	[spmem:s2] =	stream.indirect.scatter.add.f32 [tilespmem:s12], [sflag:$0x1], $0x10, s19, s15, $0xb8;
	[tilespmem:$0x6C00] =	vst v63  }
0x6a: {  	_ =	swait.ge [sflag:s13], $0x800  }
0x6b: {  	[sflag:s13] =	ssyncset.done $0x0  }
0x6c: {  	[sflag:s13] =	ssyncadd.s32 $0xFFFFF800  }
0x6d: {  	[spmem:s2] =	stream.indirect.scatter.add.f32 [tilespmem:s12], [sflag:$0x1], $0x10, s20, s15, $0xb8;
	[tilespmem:$0x6C00] =	vst v63  }
0x6e: {  	_ =	swait.ge [sflag:s13], $0x800  }
0x6f: {  	[sflag:s13] =	ssyncset.done $0x0  }
0x70: {  	[sflag:s13] =	ssyncadd.s32 $0xFFFFF800  }
0x71: {  	[spmem:s2] =	stream.indirect.scatter.add.f32 [tilespmem:s12], [sflag:$0x1], $0x10, s21, s15, $0xb8;
	[tilespmem:$0x6C00] =	vst v63  }
0x72: {  	_ =	swait.ge [sflag:s13], $0x800  }
.Ltmp2:
0x73: {  	[sflag:s13] =	ssyncset.done $0x0;
	(pc) =	sbr.rel @p0 .LBB2_6-.Ltmp2, $4  }
0x74: {  	[sflag:s13] =	ssyncadd.s32 $0xFFFFF800  }
0x75: {  	[spmem:s2] =	stream.indirect.scatter.add.f32 [tilespmem:s12], [sflag:$0x1], $0x10, s22, s15, $0xb8;
	[tilespmem:$0x6C00] =	vst v63  }
0x76: {  	_ =	swait.ge [sflag:s13], $0x800  }
0x77: {  	s26 =	smov.u32 s25;
	[sflag:s13] =	ssyncset.done $0x0  }
0x78: {  	s24 =	sadd.s32 s24, s11;
	[sflag:s13] =	ssyncadd.s32 $0xFFFFF800  }
0x79: {  	[tilespmem:s14], [sflag:$0x1] =	stream.linear.gather [hbm4b:s24+s3], $0x400, $0x38;
	[tilespmem:$0x6C00] =	vst v63  }
0x7a: {  	_ =	swait.ge [sflag:s13], $0x400  }
0x7b: {  	[sflag:s13] =	ssyncset.done $0x0  }
0x7c: {  	[sflag:s13] =	ssyncadd.s32 $0xFFFFFC00  }
0x7d: {  	[spmem:s2] =	stream.indirect.scatter.add.f32 [tilespmem:s12], [sflag:$0x1], $0x10, s14, s15, $0xb8;
	[tilespmem:$0x6C00] =	vst v63  }
0x7e: {  	_ =	swait.ge [sflag:s13], $0x800  }
0x7f: {  	[sflag:s13] =	ssyncset.done $0x0  }
0x80: {  	[sflag:s13] =	ssyncadd.s32 $0xFFFFF800  }
0x81: {  	[spmem:s2] =	stream.indirect.scatter.add.f32 [tilespmem:s12], [sflag:$0x1], $0x10, s16, s15, $0xb8;
	[tilespmem:$0x6C00] =	vst v63  }
0x82: {  	_ =	swait.ge [sflag:s13], $0x800  }
0x83: {  	[sflag:s13] =	ssyncset.done $0x0  }
0x84: {  	[sflag:s13] =	ssyncadd.s32 $0xFFFFF800  }
0x85: {  	[spmem:s2] =	stream.indirect.scatter.add.f32 [tilespmem:s12], [sflag:$0x1], $0x10, s17, s15, $0xb8;
	[tilespmem:$0x6C00] =	vst v63  }
0x86: {  	_ =	swait.ge [sflag:s13], $0x800  }
0x87: {  	[sflag:s13] =	ssyncset.done $0x0  }
0x88: {  	[sflag:s13] =	ssyncadd.s32 $0xFFFFF800  }
0x89: {  	[spmem:s2] =	stream.indirect.scatter.add.f32 [tilespmem:s12], [sflag:$0x1], $0x10, s18, s15, $0xb8;
	[tilespmem:$0x6C00] =	vst v63  }
0x8a: {  	_ =	swait.ge [sflag:s13], $0x800  }
0x8b: {  	[sflag:s13] =	ssyncset.done $0x0  }
0x8c: {  	[sflag:s13] =	ssyncadd.s32 $0xFFFFF800  }
0x8d: {  	[spmem:s2] =	stream.indirect.scatter.add.f32 [tilespmem:s12], [sflag:$0x1], $0x10, s19, s15, $0xb8;
	[tilespmem:$0x6C00] =	vst v63  }
0x8e: {  	_ =	swait.ge [sflag:s13], $0x800  }
0x8f: {  	[sflag:s13] =	ssyncset.done $0x0  }
0x90: {  	[sflag:s13] =	ssyncadd.s32 $0xFFFFF800  }
0x91: {  	[spmem:s2] =	stream.indirect.scatter.add.f32 [tilespmem:s12], [sflag:$0x1], $0x10, s20, s15, $0xb8;
	[tilespmem:$0x6C00] =	vst v63  }
0x92: {  	_ =	swait.ge [sflag:s13], $0x800  }
0x93: {  	[sflag:s13] =	ssyncset.done $0x0  }
0x94: {  	[sflag:s13] =	ssyncadd.s32 $0xFFFFF800  }
0x95: {  	[spmem:s2] =	stream.indirect.scatter.add.f32 [tilespmem:s12], [sflag:$0x1], $0x10, s21, s15, $0xb8;
	[tilespmem:$0x6C00] =	vst v63  }
0x96: {  	_ =	swait.ge [sflag:s13], $0x800  }
0x97: {  	[sflag:s13] =	ssyncset.done $0x0  }
0x98: {  	[sflag:s13] =	ssyncadd.s32 $0xFFFFF800  }
0x99: {  	[spmem:s2] =	stream.indirect.scatter.add.f32 [tilespmem:s12], [sflag:$0x1], $0x10, s22, s15, $0xb8;
	[tilespmem:$0x6C00] =	vst v63  }
0x9a: {  	_ =	swait.ge [sflag:s13], $0x800  }
0x9b: {  	s31 =	sshll.u32 s0, $0x6;
	s23 =	sadd.s32 $0x1, s23;
	[sflag:s13] =	ssyncset.done $0x0  }
0x9c: {  	s25 =	sshrl.u32 s4, $0x3;
	p0 =	sne.s32 s23, s6;
	[sflag:s13] =	ssyncadd.s32 $0xFFFFF800  }
.Ltmp3:
0x9d: {  	s24 =	sor.u32 $0x1C01, s31;
	[bflag:$0x0] =	sbarrier.arrive $0xFFFF;
	(pc) =	sbr.rel @p0 .LBB2_1-.Ltmp3, $4  }
0x9e: {  	[hbm:s5], [sflag:s24] =	dma.local [spmem:s25], $0x2800  }
0x9f: {  	_ =	swait.ge [sflag:s13], $0x2800  }
0xa0: {  	[sflag:s13] =	ssyncset.done $0x0  }
0xa1: {  	[sflag:s13] =	ssyncadd.s32 $0xFFFFD800  }
0xa2: {  	_ =	sfence.sel $0x180000  }
0xa3: {  	[bflag:$0x0] =	sbarrier.arrive $0xFFFF  }
0xa4: {  	p0 =	sne.s32 s0, $0x0;
	_ =	strace $0x90000047  }
0xa5: {  	s0 =	sadd.s32 @!p0 $0x100000, s1;
	[bflag:$0x2] =	sbarrier.arrive $0xFFFF  }
0xa6: {  	[sflag:s0] =	ssyncadd.tile.s32 @!p0 $0x1;
	_ =	shalt  }
.Lfunc_end2:
_tile_overlayer_lowered:
.L_overlay_start_2:
0xa7: {  	(tag) =	ssettag $0x2  }
0xa8: {  	s0 =	rddreg [dreg:$0x0];
	s2 =	stileid.u32  }
0xa9: {  	s1 =	rddreg [dreg:$0x1];
	p0 =	sne.s32 s2, $0x0  }
0xaa: {  	s3 =	rddreg [dreg:$0x2];
	[bflag:$0x3] =	sbarrier.arrive $0xFFFF;
	s2 =	simm.s32 @!p0 $0x1C01  }
0xab: {  	[timem:s3], [sflag:s2] =	dma.local @!p0 [hbm:s0], s1  }
0xac: {  	s0 =	simm.s32 @!p0 $0x1  }
0xad: {  	_ =	swait.ge @!p0 [sflag:s0], s1  }
0xae: {  	s1 =	ssub.s32 @!p0 $0x0, s1;
	[sflag:s0] =	ssyncset.done @!p0 $0x0  }
0xaf: {  	[sflag:s0] =	ssyncadd.s32 @!p0 s1  }
0xb0: {  	[bflag:$0x3] =	sbarrier.arrive $0xFFFF  }
0xb1: {  	_ =	shalt  }

</sc_bundles>
